<compile_context>
chip_gen: v7x
topology: tpu7x:2x2x1
jax: 0.10.2.dev20260603
libtpu: 0.0.44.dev20260713+nightly
codegen_flags: <defaults>
</compile_context>

<pallas_src>
import functools

import jax
import jax.numpy as jnp
from jax import lax
from jax.experimental import pallas as pl
from jax.experimental.pallas import tpu as pltpu
from jax.experimental.pallas import tpu_sc as plsc

_D = 128
_L = 128
_SUB = 1
_C = _SUB * _L
_NS = 5
_NW = 32


def _emb_body(ids_hbm, table_hbm, out_hbm, idx_v, rows_v, table_sp, idx_sp,
              sems, *, nchunk, per_w):
  sid = lax.axis_index("s")
  wid = lax.axis_index("c") * 16 + sid
  base = wid * per_w

  @pl.when(sid == 0)
  def _stage():
    pltpu.sync_copy(table_hbm, table_sp)

  row_base = wid * (per_w // _L)
  pltpu.sync_copy(ids_hbm.at[pl.ds(row_base, per_w // _L)], idx_sp.at[sid])

  plsc.subcore_barrier()

  gsems, wsems = sems[:_NS], sems[_NS:]

  def idx_load(c, s):
    pltpu.sync_copy(idx_sp.at[sid].at[pl.ds(c * _SUB, _SUB)], idx_v.at[s])

  def gather_start(s):
    for j in range(_SUB):
      pltpu.make_async_copy(
          table_sp.at[idx_v.at[s, j]],
          rows_v.at[s].at[pl.ds(j * _L, _L)],
          gsems[s]).start()

  def gather_wait(s):
    for j in range(_SUB):
      pltpu.make_async_copy(
          table_sp.at[idx_v.at[s, j]],
          rows_v.at[s].at[pl.ds(j * _L, _L)],
          gsems[s]).wait()

  def write_start(c, s):
    pltpu.make_async_copy(
        rows_v.at[s], out_hbm.at[pl.ds(base + c * _C, _C)], wsems[s]).start()

  def write_wait(c, s):
    pltpu.make_async_copy(
        rows_v.at[s], out_hbm.at[pl.ds(base + c * _C, _C)], wsems[s]).wait()

  for c in range(_NS):
    idx_load(c, c)
    gather_start(c)
  for c in range(_NS - 1):
    gather_wait(c)
    write_start(c, c)

  def body(g, carry):
    for d in range(_NS):
      i = _NS * g + d
      write_wait(i - _NS, d)
      idx_load(i, d)
      gather_start(d)
      gather_wait((d - 1) % _NS)
      write_start(i - 1, (d - 1) % _NS)
    return carry

  lax.fori_loop(1, nchunk // _NS, body, 0)

  last = nchunk - 1
  gather_wait(last % _NS)
  write_start(last, last % _NS)
  for k in range(_NS):
    write_wait(last - k, (last - k) % _NS)


def kernel(word_ids, n_words, table):
  del n_words
  b, h = word_ids.shape
  n = b * h
  ids = word_ids.reshape(n // _L, _L).astype(jnp.int32)
  per_w = n // _NW
  nchunk = per_w // _C
  assert nchunk % _NS == 0
  mesh = plsc.VectorSubcoreMesh(core_axis_name="c", subcore_axis_name="s")
  out = pl.kernel(
      functools.partial(_emb_body, nchunk=nchunk, per_w=per_w),
      out_type=jax.ShapeDtypeStruct((n, _D), table.dtype),
      mesh=mesh,
      scratch_types=[
          pltpu.VMEM((_NS, _SUB, _L), jnp.int32),
          pltpu.VMEM((_NS, _C, _D), jnp.float32),
          pltpu.VMEM_SHARED((table.shape[0], _D), jnp.float32),
          pltpu.VMEM_SHARED((16, per_w // _L, _L), jnp.int32),
          [pltpu.SemaphoreType.DMA] * (2 * _NS),
      ],
  )(ids, table)
  return out.reshape(b, h, _D)

# --- scband reference (transcript-rebuilt; emitter-appended) ---
"""Pipeline reference for scband-word-embedder-89635967468124 (READ-ONLY COPY).

The authoritative reference and input builder live on the scoring server;
editing this copy changes nothing except your own understanding.
"""

import jax, jax.numpy as jnp
import numpy as np

VOCAB = 1000
EMBED_DIM = 128
BATCH = 4096
HIST = 200
INIT_STD = 0.001

def setup_inputs(seed: int = 0) -> dict:
    key = jax.random.key(seed)
    k1, k2, k3 = jax.random.split(key, 3)
    word_ids = jax.random.randint(k1, (BATCH, HIST), 0, VOCAB)
    n_words = jax.random.randint(k2, (BATCH,), 1, HIST)
    # learned embedding table, initialized like torch: normal(mean=0, std=init_std)
    table = jax.random.normal(k3, (VOCAB, EMBED_DIM), dtype=jnp.float32) * INIT_STD
    return {"word_ids": word_ids, "n_words": n_words, "table": table}

def reference(word_ids, n_words, table):
    # Eval mode: WordDropout is the identity (self.training is False),
    # so forward reduces to a plain embedding lookup: table[word_ids].
    embeds = jnp.take(table, word_ids, axis=0)
    return embeds

if __name__ == "__main__":
    import jax
    _d = setup_inputs()
    print(jax.jit(kernel)(*tuple(_d.values())))

</pallas_src>

<mosaic_0001>
#map = affine_map<(d0, d1) -> (0, 0)>
module attributes {stable_mosaic.version = 14 : i64} {
  func.func @_emb_body(%arg0: i32, %arg1: i32, %arg2: memref<6400x128xi32, #tpu.memory_space<hbm>>, %arg3: memref<1000x128xf32, #tpu.memory_space<hbm>>, %arg4: memref<819200x128xf32, #tpu.memory_space<hbm>>, %arg5: memref<5x1x128xi32, #tpu.memory_space<vmem>>, %arg6: memref<5x128x128xf32, #tpu.memory_space<vmem>>, %arg7: memref<1000x128xf32, #tpu.memory_space<vmem_shared>>, %arg8: memref<16x200x128xi32, #tpu.memory_space<vmem_shared>>, %arg9: memref<!tpu.dma_semaphore, #tpu.memory_space<semaphore_mem>>, %arg10: memref<!tpu.dma_semaphore, #tpu.memory_space<semaphore_mem>>, %arg11: memref<!tpu.dma_semaphore, #tpu.memory_space<semaphore_mem>>, %arg12: memref<!tpu.dma_semaphore, #tpu.memory_space<semaphore_mem>>, %arg13: memref<!tpu.dma_semaphore, #tpu.memory_space<semaphore_mem>>, %arg14: memref<!tpu.dma_semaphore, #tpu.memory_space<semaphore_mem>>, %arg15: memref<!tpu.dma_semaphore, #tpu.memory_space<semaphore_mem>>, %arg16: memref<!tpu.dma_semaphore, #tpu.memory_space<semaphore_mem>>, %arg17: memref<!tpu.dma_semaphore, #tpu.memory_space<semaphore_mem>>, %arg18: memref<!tpu.dma_semaphore, #tpu.memory_space<semaphore_mem>>) attributes {dimension_semantics = [#tpu.dimension_semantics<core_parallel>, #tpu.dimension_semantics<subcore_parallel>], iteration_bounds = array<i64: 2, 16>, scalar_prefetch = 0 : i64, scratch_operands = 14 : i64, tpu.core_type = #tpu.core_type<sc_vector_subcore>, window_params = [{transform_indices = #map}, {transform_indices = #map}, {transform_indices = #map}]} {
    %mul3A = arith.constant 16 : i32
    %mul3A_0 = arith.muli %arg0, %mul3A : i32
    %add3A = arith.addi %mul3A_0, %arg1 : i32
    %mul3A_1 = arith.constant 25600 : i32
    %mul3A_2 = arith.muli %add3A, %mul3A_1 : i32
    %eq3A = arith.constant 0 : i32
    %eq3A_3 = arith.cmpi eq, %arg1, %eq3A : i32
    %convert_element_type3A = arith.extui %eq3A_3 : i1 to i32
    %cond3A = arith.constant 0 : i32
    %cond3A_4 = arith.cmpi ne, %convert_element_type3A, %cond3A : i32
    scf.if %cond3A_4 {
      "tpu.region"() ({
        %run_scoped3A_324 = tpu.sem_alloc : memref<!tpu.dma_semaphore, #tpu.memory_space<semaphore_mem>>
        tpu.enqueue_dma source(%arg3 : memref<1000x128xf32, #tpu.memory_space<hbm>>) target(%arg7 : memref<1000x128xf32, #tpu.memory_space<vmem_shared>>) target_semaphore(%run_scoped3A_324 : memref<!tpu.dma_semaphore, #tpu.memory_space<semaphore_mem>>)
        tpu.wait_dma2 semaphore(%run_scoped3A_324 : memref<!tpu.dma_semaphore, #tpu.memory_space<semaphore_mem>>) src(%arg3 : memref<1000x128xf32, #tpu.memory_space<hbm>>) dst(%arg7 : memref<1000x128xf32, #tpu.memory_space<vmem_shared>>)
        tpu.yield
      }) : () -> ()
    } else {
    }
    %mul3A_5 = arith.constant 200 : i32
    %mul3A_6 = arith.muli %add3A, %mul3A_5 : i32
    "tpu.region"() ({
      %run_scoped3A_324 = tpu.sem_alloc : memref<!tpu.dma_semaphore, #tpu.memory_space<semaphore_mem>>
      %dma_start3A_325 = arith.constant 0 : i32
      %dma_start3A_326 = arith.constant 0 : i32
      %dma_start3A_327 = tpu.memref_slice %arg8[%arg1, %dma_start3A_325, %dma_start3A_326] : memref<16x200x128xi32, #tpu.memory_space<vmem_shared>> -> memref<1x200x128xi32, #tpu.memory_space<vmem_shared>>
      %dma_start3A_328 = tpu.memref_squeeze %dma_start3A_327 : memref<1x200x128xi32, #tpu.memory_space<vmem_shared>> -> memref<200x128xi32, #tpu.memory_space<vmem_shared>>
      %dma_start3A_329 = arith.constant 0 : i32
      %dma_start3A_330 = tpu.memref_slice %arg2[%mul3A_6, %dma_start3A_329] : memref<6400x128xi32, #tpu.memory_space<hbm>> -> memref<200x128xi32, #tpu.memory_space<hbm>>
      tpu.enqueue_dma source(%dma_start3A_330 : memref<200x128xi32, #tpu.memory_space<hbm>>) target(%dma_start3A_328 : memref<200x128xi32, #tpu.memory_space<vmem_shared>>) target_semaphore(%run_scoped3A_324 : memref<!tpu.dma_semaphore, #tpu.memory_space<semaphore_mem>>)
      %dma_wait3A_331 = arith.constant 0 : i32
      %dma_wait3A_332 = arith.constant 0 : i32
      %dma_wait3A_333 = tpu.memref_slice %arg8[%arg1, %dma_wait3A_331, %dma_wait3A_332] : memref<16x200x128xi32, #tpu.memory_space<vmem_shared>> -> memref<1x200x128xi32, #tpu.memory_space<vmem_shared>>
      %dma_wait3A_334 = tpu.memref_squeeze %dma_wait3A_333 : memref<1x200x128xi32, #tpu.memory_space<vmem_shared>> -> memref<200x128xi32, #tpu.memory_space<vmem_shared>>
      %dma_wait3A_335 = arith.constant 0 : i32
      %dma_wait3A_336 = tpu.memref_slice %arg2[%mul3A_6, %dma_wait3A_335] : memref<6400x128xi32, #tpu.memory_space<hbm>> -> memref<200x128xi32, #tpu.memory_space<hbm>>
      tpu.wait_dma2 semaphore(%run_scoped3A_324 : memref<!tpu.dma_semaphore, #tpu.memory_space<semaphore_mem>>) src(%dma_wait3A_336 : memref<200x128xi32, #tpu.memory_space<hbm>>) dst(%dma_wait3A_334 : memref<200x128xi32, #tpu.memory_space<vmem_shared>>)
      tpu.yield
    }) : () -> ()
    %barrier3A = arith.constant 0 : index
    tpu.barrier barrier_id(%barrier3A)
    %run_scoped3A = arith.constant 0 : i32
    "tpu.region"() ({
      %run_scoped3A_324 = tpu.sem_alloc : memref<!tpu.dma_semaphore, #tpu.memory_space<semaphore_mem>>
      %dma_start3A_325 = arith.constant 0 : i32
      %dma_start3A_326 = arith.constant 0 : i32
      %dma_start3A_327 = tpu.memref_slice %arg5[%run_scoped3A, %dma_start3A_325, %dma_start3A_326] : memref<5x1x128xi32, #tpu.memory_space<vmem>> -> memref<1x1x128xi32, #tpu.memory_space<vmem>>
      %dma_start3A_328 = tpu.memref_squeeze %dma_start3A_327 : memref<1x1x128xi32, #tpu.memory_space<vmem>> -> memref<1x128xi32, #tpu.memory_space<vmem>>
      %dma_start3A_329 = arith.constant 0 : i32
      %dma_start3A_330 = arith.constant 0 : i32
      %dma_start3A_331 = tpu.memref_slice %arg8[%arg1, %dma_start3A_329, %dma_start3A_330] : memref<16x200x128xi32, #tpu.memory_space<vmem_shared>> -> memref<1x200x128xi32, #tpu.memory_space<vmem_shared>>
      %dma_start3A_332 = tpu.memref_squeeze %dma_start3A_331 : memref<1x200x128xi32, #tpu.memory_space<vmem_shared>> -> memref<200x128xi32, #tpu.memory_space<vmem_shared>>
      %dma_start3A_333 = arith.constant 0 : i32
      %dma_start3A_334 = arith.constant 0 : i32
      %dma_start3A_335 = tpu.memref_slice %dma_start3A_332[%dma_start3A_333, %dma_start3A_334] : memref<200x128xi32, #tpu.memory_space<vmem_shared>> -> memref<1x128xi32, #tpu.memory_space<vmem_shared>>
      %dma_start3A_336 = arith.constant 0 : i32
      %dma_start3A_337 = arith.constant 0 : i32
      %dma_start3A_338 = tpu.memref_slice %arg5[%run_scoped3A, %dma_start3A_336, %dma_start3A_337] : memref<5x1x128xi32, #tpu.memory_space<vmem>> -> memref<1x1x128xi32, #tpu.memory_space<vmem>>
      %dma_start3A_339 = tpu.memref_squeeze %dma_start3A_338 : memref<1x1x128xi32, #tpu.memory_space<vmem>> -> memref<1x128xi32, #tpu.memory_space<vmem>>
      %dma_start3A_340 = arith.constant 0 : i32
      %dma_start3A_341 = arith.constant 0 : i32
      %dma_start3A_342 = tpu.memref_slice %arg8[%arg1, %dma_start3A_340, %dma_start3A_341] : memref<16x200x128xi32, #tpu.memory_space<vmem_shared>> -> memref<1x200x128xi32, #tpu.memory_space<vmem_shared>>
      %dma_start3A_343 = tpu.memref_squeeze %dma_start3A_342 : memref<1x200x128xi32, #tpu.memory_space<vmem_shared>> -> memref<200x128xi32, #tpu.memory_space<vmem_shared>>
      %dma_start3A_344 = arith.constant 0 : i32
      %dma_start3A_345 = arith.constant 0 : i32
      %dma_start3A_346 = tpu.memref_slice %dma_start3A_343[%dma_start3A_344, %dma_start3A_345] : memref<200x128xi32, #tpu.memory_space<vmem_shared>> -> memref<1x128xi32, #tpu.memory_space<vmem_shared>>
      tpu.enqueue_dma source(%dma_start3A_346 : memref<1x128xi32, #tpu.memory_space<vmem_shared>>) target(%dma_start3A_339 : memref<1x128xi32, #tpu.memory_space<vmem>>) target_semaphore(%run_scoped3A_324 : memref<!tpu.dma_semaphore, #tpu.memory_space<semaphore_mem>>)
      %dma_wait3A_347 = arith.constant 0 : i32
      %dma_wait3A_348 = arith.constant 0 : i32
      %dma_wait3A_349 = tpu.memref_slice %arg5[%run_scoped3A, %dma_wait3A_347, %dma_wait3A_348] : memref<5x1x128xi32, #tpu.memory_space<vmem>> -> memref<1x1x128xi32, #tpu.memory_space<vmem>>
      %dma_wait3A_350 = tpu.memref_squeeze %dma_wait3A_349 : memref<1x1x128xi32, #tpu.memory_space<vmem>> -> memref<1x128xi32, #tpu.memory_space<vmem>>
      %dma_wait3A_351 = arith.constant 0 : i32
      %dma_wait3A_352 = arith.constant 0 : i32
      %dma_wait3A_353 = tpu.memref_slice %arg8[%arg1, %dma_wait3A_351, %dma_wait3A_352] : memref<16x200x128xi32, #tpu.memory_space<vmem_shared>> -> memref<1x200x128xi32, #tpu.memory_space<vmem_shared>>
      %dma_wait3A_354 = tpu.memref_squeeze %dma_wait3A_353 : memref<1x200x128xi32, #tpu.memory_space<vmem_shared>> -> memref<200x128xi32, #tpu.memory_space<vmem_shared>>
      %dma_wait3A_355 = arith.constant 0 : i32
      %dma_wait3A_356 = arith.constant 0 : i32
      %dma_wait3A_357 = tpu.memref_slice %dma_wait3A_354[%dma_wait3A_355, %dma_wait3A_356] : memref<200x128xi32, #tpu.memory_space<vmem_shared>> -> memref<1x128xi32, #tpu.memory_space<vmem_shared>>
      %dma_wait3A_358 = arith.constant 0 : i32
      %dma_wait3A_359 = arith.constant 0 : i32
      %dma_wait3A_360 = tpu.memref_slice %arg5[%run_scoped3A, %dma_wait3A_358, %dma_wait3A_359] : memref<5x1x128xi32, #tpu.memory_space<vmem>> -> memref<1x1x128xi32, #tpu.memory_space<vmem>>
      %dma_wait3A_361 = tpu.memref_squeeze %dma_wait3A_360 : memref<1x1x128xi32, #tpu.memory_space<vmem>> -> memref<1x128xi32, #tpu.memory_space<vmem>>
      %dma_wait3A_362 = arith.constant 0 : i32
      %dma_wait3A_363 = arith.constant 0 : i32
      %dma_wait3A_364 = tpu.memref_slice %arg8[%arg1, %dma_wait3A_362, %dma_wait3A_363] : memref<16x200x128xi32, #tpu.memory_space<vmem_shared>> -> memref<1x200x128xi32, #tpu.memory_space<vmem_shared>>
      %dma_wait3A_365 = tpu.memref_squeeze %dma_wait3A_364 : memref<1x200x128xi32, #tpu.memory_space<vmem_shared>> -> memref<200x128xi32, #tpu.memory_space<vmem_shared>>
      %dma_wait3A_366 = arith.constant 0 : i32
      %dma_wait3A_367 = arith.constant 0 : i32
      %dma_wait3A_368 = tpu.memref_slice %dma_wait3A_365[%dma_wait3A_366, %dma_wait3A_367] : memref<200x128xi32, #tpu.memory_space<vmem_shared>> -> memref<1x128xi32, #tpu.memory_space<vmem_shared>>
      tpu.wait_dma2 semaphore(%run_scoped3A_324 : memref<!tpu.dma_semaphore, #tpu.memory_space<semaphore_mem>>) src(%dma_wait3A_368 : memref<1x128xi32, #tpu.memory_space<vmem_shared>>) dst(%dma_wait3A_361 : memref<1x128xi32, #tpu.memory_space<vmem>>)
      tpu.yield
    }) : () -> ()
    %dma_start3A = arith.constant 0 : i32
    %dma_start3A_7 = arith.constant 0 : i32
    %dma_start3A_8 = arith.constant 0 : i32
    %dma_start3A_9 = arith.constant 0 : i32
    %dma_start3A_10 = arith.constant 0 : i32
    %dma_start3A_11 = tpu.memref_slice %arg6[%dma_start3A_8, %dma_start3A_9, %dma_start3A_10] : memref<5x128x128xf32, #tpu.memory_space<vmem>> -> memref<1x128x128xf32, #tpu.memory_space<vmem>>
    %dma_start3A_12 = tpu.memref_squeeze %dma_start3A_11 : memref<1x128x128xf32, #tpu.memory_space<vmem>> -> memref<128x128xf32, #tpu.memory_space<vmem>>
    %dma_start3A_13 = arith.constant 0 : i32
    %dma_start3A_14 = arith.constant 0 : i32
    %dma_start3A_15 = tpu.memref_slice %dma_start3A_12[%dma_start3A_13, %dma_start3A_14] : memref<128x128xf32, #tpu.memory_space<vmem>> -> memref<128x128xf32, #tpu.memory_space<vmem>>
    %dma_start3A_16 = arith.constant 0 : i32
    %dma_start3A_17 = tpu.memref_slice %arg5[%dma_start3A, %dma_start3A_7, %dma_start3A_16] : memref<5x1x128xi32, #tpu.memory_space<vmem>> -> memref<1x1x128xi32, #tpu.memory_space<vmem>>
    %dma_start3A_18 = tpu.memref_squeeze %dma_start3A_17 : memref<1x1x128xi32, #tpu.memory_space<vmem>> -> memref<128xi32, #tpu.memory_space<vmem>>
    %dma_start3A_19 = arith.constant 0 : i32
    %dma_start3A_20 = arith.constant 0 : i32
    %dma_start3A_21 = tpu.memref_slice %arg7[%dma_start3A_19, %dma_start3A_20] : memref<1000x128xf32, #tpu.memory_space<vmem_shared>> -> memref<1000x128xf32, #tpu.memory_space<vmem_shared>>
    tpu.enqueue_indirect_dma source(%dma_start3A_21 : memref<1000x128xf32, #tpu.memory_space<vmem_shared>>) target(%dma_start3A_15 : memref<128x128xf32, #tpu.memory_space<vmem>>) offsets(%dma_start3A_18 : memref<128xi32, #tpu.memory_space<vmem>>) semaphore(%arg9 : memref<!tpu.dma_semaphore, #tpu.memory_space<semaphore_mem>>)
    %run_scoped3A_22 = arith.constant 1 : i32
    "tpu.region"() ({
      %run_scoped3A_324 = tpu.sem_alloc : memref<!tpu.dma_semaphore, #tpu.memory_space<semaphore_mem>>
      %dma_start3A_325 = arith.constant 0 : i32
      %dma_start3A_326 = arith.constant 0 : i32
      %dma_start3A_327 = tpu.memref_slice %arg5[%run_scoped3A_22, %dma_start3A_325, %dma_start3A_326] : memref<5x1x128xi32, #tpu.memory_space<vmem>> -> memref<1x1x128xi32, #tpu.memory_space<vmem>>
      %dma_start3A_328 = tpu.memref_squeeze %dma_start3A_327 : memref<1x1x128xi32, #tpu.memory_space<vmem>> -> memref<1x128xi32, #tpu.memory_space<vmem>>
      %dma_start3A_329 = arith.constant 0 : i32
      %dma_start3A_330 = arith.constant 0 : i32
      %dma_start3A_331 = tpu.memref_slice %arg8[%arg1, %dma_start3A_329, %dma_start3A_330] : memref<16x200x128xi32, #tpu.memory_space<vmem_shared>> -> memref<1x200x128xi32, #tpu.memory_space<vmem_shared>>
      %dma_start3A_332 = tpu.memref_squeeze %dma_start3A_331 : memref<1x200x128xi32, #tpu.memory_space<vmem_shared>> -> memref<200x128xi32, #tpu.memory_space<vmem_shared>>
      %dma_start3A_333 = arith.constant 1 : i32
      %dma_start3A_334 = arith.constant 0 : i32
      %dma_start3A_335 = tpu.memref_slice %dma_start3A_332[%dma_start3A_333, %dma_start3A_334] : memref<200x128xi32, #tpu.memory_space<vmem_shared>> -> memref<1x128xi32, #tpu.memory_space<vmem_shared>>
      %dma_start3A_336 = arith.constant 0 : i32
      %dma_start3A_337 = arith.constant 0 : i32
      %dma_start3A_338 = tpu.memref_slice %arg5[%run_scoped3A_22, %dma_start3A_336, %dma_start3A_337] : memref<5x1x128xi32, #tpu.memory_space<vmem>> -> memref<1x1x128xi32, #tpu.memory_space<vmem>>
      %dma_start3A_339 = tpu.memref_squeeze %dma_start3A_338 : memref<1x1x128xi32, #tpu.memory_space<vmem>> -> memref<1x128xi32, #tpu.memory_space<vmem>>
      %dma_start3A_340 = arith.constant 0 : i32
      %dma_start3A_341 = arith.constant 0 : i32
      %dma_start3A_342 = tpu.memref_slice %arg8[%arg1, %dma_start3A_340, %dma_start3A_341] : memref<16x200x128xi32, #tpu.memory_space<vmem_shared>> -> memref<1x200x128xi32, #tpu.memory_space<vmem_shared>>
      %dma_start3A_343 = tpu.memref_squeeze %dma_start3A_342 : memref<1x200x128xi32, #tpu.memory_space<vmem_shared>> -> memref<200x128xi32, #tpu.memory_space<vmem_shared>>
      %dma_start3A_344 = arith.constant 1 : i32
      %dma_start3A_345 = arith.constant 0 : i32
      %dma_start3A_346 = tpu.memref_slice %dma_start3A_343[%dma_start3A_344, %dma_start3A_345] : memref<200x128xi32, #tpu.memory_space<vmem_shared>> -> memref<1x128xi32, #tpu.memory_space<vmem_shared>>
      tpu.enqueue_dma source(%dma_start3A_346 : memref<1x128xi32, #tpu.memory_space<vmem_shared>>) target(%dma_start3A_339 : memref<1x128xi32, #tpu.memory_space<vmem>>) target_semaphore(%run_scoped3A_324 : memref<!tpu.dma_semaphore, #tpu.memory_space<semaphore_mem>>)
      %dma_wait3A_347 = arith.constant 0 : i32
      %dma_wait3A_348 = arith.constant 0 : i32
      %dma_wait3A_349 = tpu.memref_slice %arg5[%run_scoped3A_22, %dma_wait3A_347, %dma_wait3A_348] : memref<5x1x128xi32, #tpu.memory_space<vmem>> -> memref<1x1x128xi32, #tpu.memory_space<vmem>>
      %dma_wait3A_350 = tpu.memref_squeeze %dma_wait3A_349 : memref<1x1x128xi32, #tpu.memory_space<vmem>> -> memref<1x128xi32, #tpu.memory_space<vmem>>
      %dma_wait3A_351 = arith.constant 0 : i32
      %dma_wait3A_352 = arith.constant 0 : i32
      %dma_wait3A_353 = tpu.memref_slice %arg8[%arg1, %dma_wait3A_351, %dma_wait3A_352] : memref<16x200x128xi32, #tpu.memory_space<vmem_shared>> -> memref<1x200x128xi32, #tpu.memory_space<vmem_shared>>
      %dma_wait3A_354 = tpu.memref_squeeze %dma_wait3A_353 : memref<1x200x128xi32, #tpu.memory_space<vmem_shared>> -> memref<200x128xi32, #tpu.memory_space<vmem_shared>>
      %dma_wait3A_355 = arith.constant 1 : i32
      %dma_wait3A_356 = arith.constant 0 : i32
      %dma_wait3A_357 = tpu.memref_slice %dma_wait3A_354[%dma_wait3A_355, %dma_wait3A_356] : memref<200x128xi32, #tpu.memory_space<vmem_shared>> -> memref<1x128xi32, #tpu.memory_space<vmem_shared>>
      %dma_wait3A_358 = arith.constant 0 : i32
      %dma_wait3A_359 = arith.constant 0 : i32
      %dma_wait3A_360 = tpu.memref_slice %arg5[%run_scoped3A_22, %dma_wait3A_358, %dma_wait3A_359] : memref<5x1x128xi32, #tpu.memory_space<vmem>> -> memref<1x1x128xi32, #tpu.memory_space<vmem>>
      %dma_wait3A_361 = tpu.memref_squeeze %dma_wait3A_360 : memref<1x1x128xi32, #tpu.memory_space<vmem>> -> memref<1x128xi32, #tpu.memory_space<vmem>>
      %dma_wait3A_362 = arith.constant 0 : i32
      %dma_wait3A_363 = arith.constant 0 : i32
      %dma_wait3A_364 = tpu.memref_slice %arg8[%arg1, %dma_wait3A_362, %dma_wait3A_363] : memref<16x200x128xi32, #tpu.memory_space<vmem_shared>> -> memref<1x200x128xi32, #tpu.memory_space<vmem_shared>>
      %dma_wait3A_365 = tpu.memref_squeeze %dma_wait3A_364 : memref<1x200x128xi32, #tpu.memory_space<vmem_shared>> -> memref<200x128xi32, #tpu.memory_space<vmem_shared>>
      %dma_wait3A_366 = arith.constant 1 : i32
      %dma_wait3A_367 = arith.constant 0 : i32
      %dma_wait3A_368 = tpu.memref_slice %dma_wait3A_365[%dma_wait3A_366, %dma_wait3A_367] : memref<200x128xi32, #tpu.memory_space<vmem_shared>> -> memref<1x128xi32, #tpu.memory_space<vmem_shared>>
      tpu.wait_dma2 semaphore(%run_scoped3A_324 : memref<!tpu.dma_semaphore, #tpu.memory_space<semaphore_mem>>) src(%dma_wait3A_368 : memref<1x128xi32, #tpu.memory_space<vmem_shared>>) dst(%dma_wait3A_361 : memref<1x128xi32, #tpu.memory_space<vmem>>)
      tpu.yield
    }) : () -> ()
    %dma_start3A_23 = arith.constant 1 : i32
    %dma_start3A_24 = arith.constant 0 : i32
    %dma_start3A_25 = arith.constant 1 : i32
    %dma_start3A_26 = arith.constant 0 : i32
    %dma_start3A_27 = arith.constant 0 : i32
    %dma_start3A_28 = tpu.memref_slice %arg6[%dma_start3A_25, %dma_start3A_26, %dma_start3A_27] : memref<5x128x128xf32, #tpu.memory_space<vmem>> -> memref<1x128x128xf32, #tpu.memory_space<vmem>>
    %dma_start3A_29 = tpu.memref_squeeze %dma_start3A_28 : memref<1x128x128xf32, #tpu.memory_space<vmem>> -> memref<128x128xf32, #tpu.memory_space<vmem>>
    %dma_start3A_30 = arith.constant 0 : i32
    %dma_start3A_31 = arith.constant 0 : i32
    %dma_start3A_32 = tpu.memref_slice %dma_start3A_29[%dma_start3A_30, %dma_start3A_31] : memref<128x128xf32, #tpu.memory_space<vmem>> -> memref<128x128xf32, #tpu.memory_space<vmem>>
    %dma_start3A_33 = arith.constant 0 : i32
    %dma_start3A_34 = tpu.memref_slice %arg5[%dma_start3A_23, %dma_start3A_24, %dma_start3A_33] : memref<5x1x128xi32, #tpu.memory_space<vmem>> -> memref<1x1x128xi32, #tpu.memory_space<vmem>>
    %dma_start3A_35 = tpu.memref_squeeze %dma_start3A_34 : memref<1x1x128xi32, #tpu.memory_space<vmem>> -> memref<128xi32, #tpu.memory_space<vmem>>
    %dma_start3A_36 = arith.constant 0 : i32
    %dma_start3A_37 = arith.constant 0 : i32
    %dma_start3A_38 = tpu.memref_slice %arg7[%dma_start3A_36, %dma_start3A_37] : memref<1000x128xf32, #tpu.memory_space<vmem_shared>> -> memref<1000x128xf32, #tpu.memory_space<vmem_shared>>
    tpu.enqueue_indirect_dma source(%dma_start3A_38 : memref<1000x128xf32, #tpu.memory_space<vmem_shared>>) target(%dma_start3A_32 : memref<128x128xf32, #tpu.memory_space<vmem>>) offsets(%dma_start3A_35 : memref<128xi32, #tpu.memory_space<vmem>>) semaphore(%arg10 : memref<!tpu.dma_semaphore, #tpu.memory_space<semaphore_mem>>)
    %run_scoped3A_39 = arith.constant 2 : i32
    "tpu.region"() ({
      %run_scoped3A_324 = tpu.sem_alloc : memref<!tpu.dma_semaphore, #tpu.memory_space<semaphore_mem>>
      %dma_start3A_325 = arith.constant 0 : i32
      %dma_start3A_326 = arith.constant 0 : i32
      %dma_start3A_327 = tpu.memref_slice %arg5[%run_scoped3A_39, %dma_start3A_325, %dma_start3A_326] : memref<5x1x128xi32, #tpu.memory_space<vmem>> -> memref<1x1x128xi32, #tpu.memory_space<vmem>>
      %dma_start3A_328 = tpu.memref_squeeze %dma_start3A_327 : memref<1x1x128xi32, #tpu.memory_space<vmem>> -> memref<1x128xi32, #tpu.memory_space<vmem>>
      %dma_start3A_329 = arith.constant 0 : i32
      %dma_start3A_330 = arith.constant 0 : i32
      %dma_start3A_331 = tpu.memref_slice %arg8[%arg1, %dma_start3A_329, %dma_start3A_330] : memref<16x200x128xi32, #tpu.memory_space<vmem_shared>> -> memref<1x200x128xi32, #tpu.memory_space<vmem_shared>>
      %dma_start3A_332 = tpu.memref_squeeze %dma_start3A_331 : memref<1x200x128xi32, #tpu.memory_space<vmem_shared>> -> memref<200x128xi32, #tpu.memory_space<vmem_shared>>
      %dma_start3A_333 = arith.constant 2 : i32
      %dma_start3A_334 = arith.constant 0 : i32
      %dma_start3A_335 = tpu.memref_slice %dma_start3A_332[%dma_start3A_333, %dma_start3A_334] : memref<200x128xi32, #tpu.memory_space<vmem_shared>> -> memref<1x128xi32, #tpu.memory_space<vmem_shared>>
      %dma_start3A_336 = arith.constant 0 : i32
      %dma_start3A_337 = arith.constant 0 : i32
      %dma_start3A_338 = tpu.memref_slice %arg5[%run_scoped3A_39, %dma_start3A_336, %dma_start3A_337] : memref<5x1x128xi32, #tpu.memory_space<vmem>> -> memref<1x1x128xi32, #tpu.memory_space<vmem>>
      %dma_start3A_339 = tpu.memref_squeeze %dma_start3A_338 : memref<1x1x128xi32, #tpu.memory_space<vmem>> -> memref<1x128xi32, #tpu.memory_space<vmem>>
      %dma_start3A_340 = arith.constant 0 : i32
      %dma_start3A_341 = arith.constant 0 : i32
      %dma_start3A_342 = tpu.memref_slice %arg8[%arg1, %dma_start3A_340, %dma_start3A_341] : memref<16x200x128xi32, #tpu.memory_space<vmem_shared>> -> memref<1x200x128xi32, #tpu.memory_space<vmem_shared>>
      %dma_start3A_343 = tpu.memref_squeeze %dma_start3A_342 : memref<1x200x128xi32, #tpu.memory_space<vmem_shared>> -> memref<200x128xi32, #tpu.memory_space<vmem_shared>>
      %dma_start3A_344 = arith.constant 2 : i32
      %dma_start3A_345 = arith.constant 0 : i32
      %dma_start3A_346 = tpu.memref_slice %dma_start3A_343[%dma_start3A_344, %dma_start3A_345] : memref<200x128xi32, #tpu.memory_space<vmem_shared>> -> memref<1x128xi32, #tpu.memory_space<vmem_shared>>
      tpu.enqueue_dma source(%dma_start3A_346 : memref<1x128xi32, #tpu.memory_space<vmem_shared>>) target(%dma_start3A_339 : memref<1x128xi32, #tpu.memory_space<vmem>>) target_semaphore(%run_scoped3A_324 : memref<!tpu.dma_semaphore, #tpu.memory_space<semaphore_mem>>)
      %dma_wait3A_347 = arith.constant 0 : i32
      %dma_wait3A_348 = arith.constant 0 : i32
      %dma_wait3A_349 = tpu.memref_slice %arg5[%run_scoped3A_39, %dma_wait3A_347, %dma_wait3A_348] : memref<5x1x128xi32, #tpu.memory_space<vmem>> -> memref<1x1x128xi32, #tpu.memory_space<vmem>>
      %dma_wait3A_350 = tpu.memref_squeeze %dma_wait3A_349 : memref<1x1x128xi32, #tpu.memory_space<vmem>> -> memref<1x128xi32, #tpu.memory_space<vmem>>
      %dma_wait3A_351 = arith.constant 0 : i32
      %dma_wait3A_352 = arith.constant 0 : i32
      %dma_wait3A_353 = tpu.memref_slice %arg8[%arg1, %dma_wait3A_351, %dma_wait3A_352] : memref<16x200x128xi32, #tpu.memory_space<vmem_shared>> -> memref<1x200x128xi32, #tpu.memory_space<vmem_shared>>
      %dma_wait3A_354 = tpu.memref_squeeze %dma_wait3A_353 : memref<1x200x128xi32, #tpu.memory_space<vmem_shared>> -> memref<200x128xi32, #tpu.memory_space<vmem_shared>>
      %dma_wait3A_355 = arith.constant 2 : i32
      %dma_wait3A_356 = arith.constant 0 : i32
      %dma_wait3A_357 = tpu.memref_slice %dma_wait3A_354[%dma_wait3A_355, %dma_wait3A_356] : memref<200x128xi32, #tpu.memory_space<vmem_shared>> -> memref<1x128xi32, #tpu.memory_space<vmem_shared>>
      %dma_wait3A_358 = arith.constant 0 : i32
      %dma_wait3A_359 = arith.constant 0 : i32
      %dma_wait3A_360 = tpu.memref_slice %arg5[%run_scoped3A_39, %dma_wait3A_358, %dma_wait3A_359] : memref<5x1x128xi32, #tpu.memory_space<vmem>> -> memref<1x1x128xi32, #tpu.memory_space<vmem>>
      %dma_wait3A_361 = tpu.memref_squeeze %dma_wait3A_360 : memref<1x1x128xi32, #tpu.memory_space<vmem>> -> memref<1x128xi32, #tpu.memory_space<vmem>>
      %dma_wait3A_362 = arith.constant 0 : i32
      %dma_wait3A_363 = arith.constant 0 : i32
      %dma_wait3A_364 = tpu.memref_slice %arg8[%arg1, %dma_wait3A_362, %dma_wait3A_363] : memref<16x200x128xi32, #tpu.memory_space<vmem_shared>> -> memref<1x200x128xi32, #tpu.memory_space<vmem_shared>>
      %dma_wait3A_365 = tpu.memref_squeeze %dma_wait3A_364 : memref<1x200x128xi32, #tpu.memory_space<vmem_shared>> -> memref<200x128xi32, #tpu.memory_space<vmem_shared>>
      %dma_wait3A_366 = arith.constant 2 : i32
      %dma_wait3A_367 = arith.constant 0 : i32
      %dma_wait3A_368 = tpu.memref_slice %dma_wait3A_365[%dma_wait3A_366, %dma_wait3A_367] : memref<200x128xi32, #tpu.memory_space<vmem_shared>> -> memref<1x128xi32, #tpu.memory_space<vmem_shared>>
      tpu.wait_dma2 semaphore(%run_scoped3A_324 : memref<!tpu.dma_semaphore, #tpu.memory_space<semaphore_mem>>) src(%dma_wait3A_368 : memref<1x128xi32, #tpu.memory_space<vmem_shared>>) dst(%dma_wait3A_361 : memref<1x128xi32, #tpu.memory_space<vmem>>)
      tpu.yield
    }) : () -> ()
    %dma_start3A_40 = arith.constant 2 : i32
    %dma_start3A_41 = arith.constant 0 : i32
    %dma_start3A_42 = arith.constant 2 : i32
    %dma_start3A_43 = arith.constant 0 : i32
    %dma_start3A_44 = arith.constant 0 : i32
    %dma_start3A_45 = tpu.memref_slice %arg6[%dma_start3A_42, %dma_start3A_43, %dma_start3A_44] : memref<5x128x128xf32, #tpu.memory_space<vmem>> -> memref<1x128x128xf32, #tpu.memory_space<vmem>>
    %dma_start3A_46 = tpu.memref_squeeze %dma_start3A_45 : memref<1x128x128xf32, #tpu.memory_space<vmem>> -> memref<128x128xf32, #tpu.memory_space<vmem>>
    %dma_start3A_47 = arith.constant 0 : i32
    %dma_start3A_48 = arith.constant 0 : i32
    %dma_start3A_49 = tpu.memref_slice %dma_start3A_46[%dma_start3A_47, %dma_start3A_48] : memref<128x128xf32, #tpu.memory_space<vmem>> -> memref<128x128xf32, #tpu.memory_space<vmem>>
    %dma_start3A_50 = arith.constant 0 : i32
    %dma_start3A_51 = tpu.memref_slice %arg5[%dma_start3A_40, %dma_start3A_41, %dma_start3A_50] : memref<5x1x128xi32, #tpu.memory_space<vmem>> -> memref<1x1x128xi32, #tpu.memory_space<vmem>>
    %dma_start3A_52 = tpu.memref_squeeze %dma_start3A_51 : memref<1x1x128xi32, #tpu.memory_space<vmem>> -> memref<128xi32, #tpu.memory_space<vmem>>
    %dma_start3A_53 = arith.constant 0 : i32
    %dma_start3A_54 = arith.constant 0 : i32
    %dma_start3A_55 = tpu.memref_slice %arg7[%dma_start3A_53, %dma_start3A_54] : memref<1000x128xf32, #tpu.memory_space<vmem_shared>> -> memref<1000x128xf32, #tpu.memory_space<vmem_shared>>
    tpu.enqueue_indirect_dma source(%dma_start3A_55 : memref<1000x128xf32, #tpu.memory_space<vmem_shared>>) target(%dma_start3A_49 : memref<128x128xf32, #tpu.memory_space<vmem>>) offsets(%dma_start3A_52 : memref<128xi32, #tpu.memory_space<vmem>>) semaphore(%arg11 : memref<!tpu.dma_semaphore, #tpu.memory_space<semaphore_mem>>)
    %run_scoped3A_56 = arith.constant 3 : i32
    "tpu.region"() ({
      %run_scoped3A_324 = tpu.sem_alloc : memref<!tpu.dma_semaphore, #tpu.memory_space<semaphore_mem>>
      %dma_start3A_325 = arith.constant 0 : i32
      %dma_start3A_326 = arith.constant 0 : i32
      %dma_start3A_327 = tpu.memref_slice %arg5[%run_scoped3A_56, %dma_start3A_325, %dma_start3A_326] : memref<5x1x128xi32, #tpu.memory_space<vmem>> -> memref<1x1x128xi32, #tpu.memory_space<vmem>>
      %dma_start3A_328 = tpu.memref_squeeze %dma_start3A_327 : memref<1x1x128xi32, #tpu.memory_space<vmem>> -> memref<1x128xi32, #tpu.memory_space<vmem>>
      %dma_start3A_329 = arith.constant 0 : i32
      %dma_start3A_330 = arith.constant 0 : i32
      %dma_start3A_331 = tpu.memref_slice %arg8[%arg1, %dma_start3A_329, %dma_start3A_330] : memref<16x200x128xi32, #tpu.memory_space<vmem_shared>> -> memref<1x200x128xi32, #tpu.memory_space<vmem_shared>>
      %dma_start3A_332 = tpu.memref_squeeze %dma_start3A_331 : memref<1x200x128xi32, #tpu.memory_space<vmem_shared>> -> memref<200x128xi32, #tpu.memory_space<vmem_shared>>
      %dma_start3A_333 = arith.constant 3 : i32
      %dma_start3A_334 = arith.constant 0 : i32
      %dma_start3A_335 = tpu.memref_slice %dma_start3A_332[%dma_start3A_333, %dma_start3A_334] : memref<200x128xi32, #tpu.memory_space<vmem_shared>> -> memref<1x128xi32, #tpu.memory_space<vmem_shared>>
      %dma_start3A_336 = arith.constant 0 : i32
      %dma_start3A_337 = arith.constant 0 : i32
      %dma_start3A_338 = tpu.memref_slice %arg5[%run_scoped3A_56, %dma_start3A_336, %dma_start3A_337] : memref<5x1x128xi32, #tpu.memory_space<vmem>> -> memref<1x1x128xi32, #tpu.memory_space<vmem>>
      %dma_start3A_339 = tpu.memref_squeeze %dma_start3A_338 : memref<1x1x128xi32, #tpu.memory_space<vmem>> -> memref<1x128xi32, #tpu.memory_space<vmem>>
      %dma_start3A_340 = arith.constant 0 : i32
      %dma_start3A_341 = arith.constant 0 : i32
      %dma_start3A_342 = tpu.memref_slice %arg8[%arg1, %dma_start3A_340, %dma_start3A_341] : memref<16x200x128xi32, #tpu.memory_space<vmem_shared>> -> memref<1x200x128xi32, #tpu.memory_space<vmem_shared>>
      %dma_start3A_343 = tpu.memref_squeeze %dma_start3A_342 : memref<1x200x128xi32, #tpu.memory_space<vmem_shared>> -> memref<200x128xi32, #tpu.memory_space<vmem_shared>>
      %dma_start3A_344 = arith.constant 3 : i32
      %dma_start3A_345 = arith.constant 0 : i32
      %dma_start3A_346 = tpu.memref_slice %dma_start3A_343[%dma_start3A_344, %dma_start3A_345] : memref<200x128xi32, #tpu.memory_space<vmem_shared>> -> memref<1x128xi32, #tpu.memory_space<vmem_shared>>
      tpu.enqueue_dma source(%dma_start3A_346 : memref<1x128xi32, #tpu.memory_space<vmem_shared>>) target(%dma_start3A_339 : memref<1x128xi32, #tpu.memory_space<vmem>>) target_semaphore(%run_scoped3A_324 : memref<!tpu.dma_semaphore, #tpu.memory_space<semaphore_mem>>)
      %dma_wait3A_347 = arith.constant 0 : i32
      %dma_wait3A_348 = arith.constant 0 : i32
      %dma_wait3A_349 = tpu.memref_slice %arg5[%run_scoped3A_56, %dma_wait3A_347, %dma_wait3A_348] : memref<5x1x128xi32, #tpu.memory_space<vmem>> -> memref<1x1x128xi32, #tpu.memory_space<vmem>>
      %dma_wait3A_350 = tpu.memref_squeeze %dma_wait3A_349 : memref<1x1x128xi32, #tpu.memory_space<vmem>> -> memref<1x128xi32, #tpu.memory_space<vmem>>
      %dma_wait3A_351 = arith.constant 0 : i32
      %dma_wait3A_352 = arith.constant 0 : i32
      %dma_wait3A_353 = tpu.memref_slice %arg8[%arg1, %dma_wait3A_351, %dma_wait3A_352] : memref<16x200x128xi32, #tpu.memory_space<vmem_shared>> -> memref<1x200x128xi32, #tpu.memory_space<vmem_shared>>
      %dma_wait3A_354 = tpu.memref_squeeze %dma_wait3A_353 : memref<1x200x128xi32, #tpu.memory_space<vmem_shared>> -> memref<200x128xi32, #tpu.memory_space<vmem_shared>>
      %dma_wait3A_355 = arith.constant 3 : i32
      %dma_wait3A_356 = arith.constant 0 : i32
      %dma_wait3A_357 = tpu.memref_slice %dma_wait3A_354[%dma_wait3A_355, %dma_wait3A_356] : memref<200x128xi32, #tpu.memory_space<vmem_shared>> -> memref<1x128xi32, #tpu.memory_space<vmem_shared>>
      %dma_wait3A_358 = arith.constant 0 : i32
      %dma_wait3A_359 = arith.constant 0 : i32
      %dma_wait3A_360 = tpu.memref_slice %arg5[%run_scoped3A_56, %dma_wait3A_358, %dma_wait3A_359] : memref<5x1x128xi32, #tpu.memory_space<vmem>> -> memref<1x1x128xi32, #tpu.memory_space<vmem>>
      %dma_wait3A_361 = tpu.memref_squeeze %dma_wait3A_360 : memref<1x1x128xi32, #tpu.memory_space<vmem>> -> memref<1x128xi32, #tpu.memory_space<vmem>>
      %dma_wait3A_362 = arith.constant 0 : i32
      %dma_wait3A_363 = arith.constant 0 : i32
      %dma_wait3A_364 = tpu.memref_slice %arg8[%arg1, %dma_wait3A_362, %dma_wait3A_363] : memref<16x200x128xi32, #tpu.memory_space<vmem_shared>> -> memref<1x200x128xi32, #tpu.memory_space<vmem_shared>>
      %dma_wait3A_365 = tpu.memref_squeeze %dma_wait3A_364 : memref<1x200x128xi32, #tpu.memory_space<vmem_shared>> -> memref<200x128xi32, #tpu.memory_space<vmem_shared>>
      %dma_wait3A_366 = arith.constant 3 : i32
      %dma_wait3A_367 = arith.constant 0 : i32
      %dma_wait3A_368 = tpu.memref_slice %dma_wait3A_365[%dma_wait3A_366, %dma_wait3A_367] : memref<200x128xi32, #tpu.memory_space<vmem_shared>> -> memref<1x128xi32, #tpu.memory_space<vmem_shared>>
      tpu.wait_dma2 semaphore(%run_scoped3A_324 : memref<!tpu.dma_semaphore, #tpu.memory_space<semaphore_mem>>) src(%dma_wait3A_368 : memref<1x128xi32, #tpu.memory_space<vmem_shared>>) dst(%dma_wait3A_361 : memref<1x128xi32, #tpu.memory_space<vmem>>)
      tpu.yield
    }) : () -> ()
    %dma_start3A_57 = arith.constant 3 : i32
    %dma_start3A_58 = arith.constant 0 : i32
    %dma_start3A_59 = arith.constant 3 : i32
    %dma_start3A_60 = arith.constant 0 : i32
    %dma_start3A_61 = arith.constant 0 : i32
    %dma_start3A_62 = tpu.memref_slice %arg6[%dma_start3A_59, %dma_start3A_60, %dma_start3A_61] : memref<5x128x128xf32, #tpu.memory_space<vmem>> -> memref<1x128x128xf32, #tpu.memory_space<vmem>>
    %dma_start3A_63 = tpu.memref_squeeze %dma_start3A_62 : memref<1x128x128xf32, #tpu.memory_space<vmem>> -> memref<128x128xf32, #tpu.memory_space<vmem>>
    %dma_start3A_64 = arith.constant 0 : i32
    %dma_start3A_65 = arith.constant 0 : i32
    %dma_start3A_66 = tpu.memref_slice %dma_start3A_63[%dma_start3A_64, %dma_start3A_65] : memref<128x128xf32, #tpu.memory_space<vmem>> -> memref<128x128xf32, #tpu.memory_space<vmem>>
    %dma_start3A_67 = arith.constant 0 : i32
    %dma_start3A_68 = tpu.memref_slice %arg5[%dma_start3A_57, %dma_start3A_58, %dma_start3A_67] : memref<5x1x128xi32, #tpu.memory_space<vmem>> -> memref<1x1x128xi32, #tpu.memory_space<vmem>>
    %dma_start3A_69 = tpu.memref_squeeze %dma_start3A_68 : memref<1x1x128xi32, #tpu.memory_space<vmem>> -> memref<128xi32, #tpu.memory_space<vmem>>
    %dma_start3A_70 = arith.constant 0 : i32
    %dma_start3A_71 = arith.constant 0 : i32
    %dma_start3A_72 = tpu.memref_slice %arg7[%dma_start3A_70, %dma_start3A_71] : memref<1000x128xf32, #tpu.memory_space<vmem_shared>> -> memref<1000x128xf32, #tpu.memory_space<vmem_shared>>
    tpu.enqueue_indirect_dma source(%dma_start3A_72 : memref<1000x128xf32, #tpu.memory_space<vmem_shared>>) target(%dma_start3A_66 : memref<128x128xf32, #tpu.memory_space<vmem>>) offsets(%dma_start3A_69 : memref<128xi32, #tpu.memory_space<vmem>>) semaphore(%arg12 : memref<!tpu.dma_semaphore, #tpu.memory_space<semaphore_mem>>)
    %run_scoped3A_73 = arith.constant 4 : i32
    "tpu.region"() ({
      %run_scoped3A_324 = tpu.sem_alloc : memref<!tpu.dma_semaphore, #tpu.memory_space<semaphore_mem>>
      %dma_start3A_325 = arith.constant 0 : i32
      %dma_start3A_326 = arith.constant 0 : i32
      %dma_start3A_327 = tpu.memref_slice %arg5[%run_scoped3A_73, %dma_start3A_325, %dma_start3A_326] : memref<5x1x128xi32, #tpu.memory_space<vmem>> -> memref<1x1x128xi32, #tpu.memory_space<vmem>>
      %dma_start3A_328 = tpu.memref_squeeze %dma_start3A_327 : memref<1x1x128xi32, #tpu.memory_space<vmem>> -> memref<1x128xi32, #tpu.memory_space<vmem>>
      %dma_start3A_329 = arith.constant 0 : i32
      %dma_start3A_330 = arith.constant 0 : i32
      %dma_start3A_331 = tpu.memref_slice %arg8[%arg1, %dma_start3A_329, %dma_start3A_330] : memref<16x200x128xi32, #tpu.memory_space<vmem_shared>> -> memref<1x200x128xi32, #tpu.memory_space<vmem_shared>>
      %dma_start3A_332 = tpu.memref_squeeze %dma_start3A_331 : memref<1x200x128xi32, #tpu.memory_space<vmem_shared>> -> memref<200x128xi32, #tpu.memory_space<vmem_shared>>
      %dma_start3A_333 = arith.constant 4 : i32
      %dma_start3A_334 = arith.constant 0 : i32
      %dma_start3A_335 = tpu.memref_slice %dma_start3A_332[%dma_start3A_333, %dma_start3A_334] : memref<200x128xi32, #tpu.memory_space<vmem_shared>> -> memref<1x128xi32, #tpu.memory_space<vmem_shared>>
      %dma_start3A_336 = arith.constant 0 : i32
      %dma_start3A_337 = arith.constant 0 : i32
      %dma_start3A_338 = tpu.memref_slice %arg5[%run_scoped3A_73, %dma_start3A_336, %dma_start3A_337] : memref<5x1x128xi32, #tpu.memory_space<vmem>> -> memref<1x1x128xi32, #tpu.memory_space<vmem>>
      %dma_start3A_339 = tpu.memref_squeeze %dma_start3A_338 : memref<1x1x128xi32, #tpu.memory_space<vmem>> -> memref<1x128xi32, #tpu.memory_space<vmem>>
      %dma_start3A_340 = arith.constant 0 : i32
      %dma_start3A_341 = arith.constant 0 : i32
      %dma_start3A_342 = tpu.memref_slice %arg8[%arg1, %dma_start3A_340, %dma_start3A_341] : memref<16x200x128xi32, #tpu.memory_space<vmem_shared>> -> memref<1x200x128xi32, #tpu.memory_space<vmem_shared>>
      %dma_start3A_343 = tpu.memref_squeeze %dma_start3A_342 : memref<1x200x128xi32, #tpu.memory_space<vmem_shared>> -> memref<200x128xi32, #tpu.memory_space<vmem_shared>>
      %dma_start3A_344 = arith.constant 4 : i32
      %dma_start3A_345 = arith.constant 0 : i32
      %dma_start3A_346 = tpu.memref_slice %dma_start3A_343[%dma_start3A_344, %dma_start3A_345] : memref<200x128xi32, #tpu.memory_space<vmem_shared>> -> memref<1x128xi32, #tpu.memory_space<vmem_shared>>
      tpu.enqueue_dma source(%dma_start3A_346 : memref<1x128xi32, #tpu.memory_space<vmem_shared>>) target(%dma_start3A_339 : memref<1x128xi32, #tpu.memory_space<vmem>>) target_semaphore(%run_scoped3A_324 : memref<!tpu.dma_semaphore, #tpu.memory_space<semaphore_mem>>)
      %dma_wait3A_347 = arith.constant 0 : i32
      %dma_wait3A_348 = arith.constant 0 : i32
      %dma_wait3A_349 = tpu.memref_slice %arg5[%run_scoped3A_73, %dma_wait3A_347, %dma_wait3A_348] : memref<5x1x128xi32, #tpu.memory_space<vmem>> -> memref<1x1x128xi32, #tpu.memory_space<vmem>>
      %dma_wait3A_350 = tpu.memref_squeeze %dma_wait3A_349 : memref<1x1x128xi32, #tpu.memory_space<vmem>> -> memref<1x128xi32, #tpu.memory_space<vmem>>
      %dma_wait3A_351 = arith.constant 0 : i32
      %dma_wait3A_352 = arith.constant 0 : i32
      %dma_wait3A_353 = tpu.memref_slice %arg8[%arg1, %dma_wait3A_351, %dma_wait3A_352] : memref<16x200x128xi32, #tpu.memory_space<vmem_shared>> -> memref<1x200x128xi32, #tpu.memory_space<vmem_shared>>
      %dma_wait3A_354 = tpu.memref_squeeze %dma_wait3A_353 : memref<1x200x128xi32, #tpu.memory_space<vmem_shared>> -> memref<200x128xi32, #tpu.memory_space<vmem_shared>>
      %dma_wait3A_355 = arith.constant 4 : i32
      %dma_wait3A_356 = arith.constant 0 : i32
      %dma_wait3A_357 = tpu.memref_slice %dma_wait3A_354[%dma_wait3A_355, %dma_wait3A_356] : memref<200x128xi32, #tpu.memory_space<vmem_shared>> -> memref<1x128xi32, #tpu.memory_space<vmem_shared>>
      %dma_wait3A_358 = arith.constant 0 : i32
      %dma_wait3A_359 = arith.constant 0 : i32
      %dma_wait3A_360 = tpu.memref_slice %arg5[%run_scoped3A_73, %dma_wait3A_358, %dma_wait3A_359] : memref<5x1x128xi32, #tpu.memory_space<vmem>> -> memref<1x1x128xi32, #tpu.memory_space<vmem>>
      %dma_wait3A_361 = tpu.memref_squeeze %dma_wait3A_360 : memref<1x1x128xi32, #tpu.memory_space<vmem>> -> memref<1x128xi32, #tpu.memory_space<vmem>>
      %dma_wait3A_362 = arith.constant 0 : i32
      %dma_wait3A_363 = arith.constant 0 : i32
      %dma_wait3A_364 = tpu.memref_slice %arg8[%arg1, %dma_wait3A_362, %dma_wait3A_363] : memref<16x200x128xi32, #tpu.memory_space<vmem_shared>> -> memref<1x200x128xi32, #tpu.memory_space<vmem_shared>>
      %dma_wait3A_365 = tpu.memref_squeeze %dma_wait3A_364 : memref<1x200x128xi32, #tpu.memory_space<vmem_shared>> -> memref<200x128xi32, #tpu.memory_space<vmem_shared>>
      %dma_wait3A_366 = arith.constant 4 : i32
      %dma_wait3A_367 = arith.constant 0 : i32
      %dma_wait3A_368 = tpu.memref_slice %dma_wait3A_365[%dma_wait3A_366, %dma_wait3A_367] : memref<200x128xi32, #tpu.memory_space<vmem_shared>> -> memref<1x128xi32, #tpu.memory_space<vmem_shared>>
      tpu.wait_dma2 semaphore(%run_scoped3A_324 : memref<!tpu.dma_semaphore, #tpu.memory_space<semaphore_mem>>) src(%dma_wait3A_368 : memref<1x128xi32, #tpu.memory_space<vmem_shared>>) dst(%dma_wait3A_361 : memref<1x128xi32, #tpu.memory_space<vmem>>)
      tpu.yield
    }) : () -> ()
    %dma_start3A_74 = arith.constant 4 : i32
    %dma_start3A_75 = arith.constant 0 : i32
    %dma_start3A_76 = arith.constant 4 : i32
    %dma_start3A_77 = arith.constant 0 : i32
    %dma_start3A_78 = arith.constant 0 : i32
    %dma_start3A_79 = tpu.memref_slice %arg6[%dma_start3A_76, %dma_start3A_77, %dma_start3A_78] : memref<5x128x128xf32, #tpu.memory_space<vmem>> -> memref<1x128x128xf32, #tpu.memory_space<vmem>>
    %dma_start3A_80 = tpu.memref_squeeze %dma_start3A_79 : memref<1x128x128xf32, #tpu.memory_space<vmem>> -> memref<128x128xf32, #tpu.memory_space<vmem>>
    %dma_start3A_81 = arith.constant 0 : i32
    %dma_start3A_82 = arith.constant 0 : i32
    %dma_start3A_83 = tpu.memref_slice %dma_start3A_80[%dma_start3A_81, %dma_start3A_82] : memref<128x128xf32, #tpu.memory_space<vmem>> -> memref<128x128xf32, #tpu.memory_space<vmem>>
    %dma_start3A_84 = arith.constant 0 : i32
    %dma_start3A_85 = tpu.memref_slice %arg5[%dma_start3A_74, %dma_start3A_75, %dma_start3A_84] : memref<5x1x128xi32, #tpu.memory_space<vmem>> -> memref<1x1x128xi32, #tpu.memory_space<vmem>>
    %dma_start3A_86 = tpu.memref_squeeze %dma_start3A_85 : memref<1x1x128xi32, #tpu.memory_space<vmem>> -> memref<128xi32, #tpu.memory_space<vmem>>
    %dma_start3A_87 = arith.constant 0 : i32
    %dma_start3A_88 = arith.constant 0 : i32
    %dma_start3A_89 = tpu.memref_slice %arg7[%dma_start3A_87, %dma_start3A_88] : memref<1000x128xf32, #tpu.memory_space<vmem_shared>> -> memref<1000x128xf32, #tpu.memory_space<vmem_shared>>
    tpu.enqueue_indirect_dma source(%dma_start3A_89 : memref<1000x128xf32, #tpu.memory_space<vmem_shared>>) target(%dma_start3A_83 : memref<128x128xf32, #tpu.memory_space<vmem>>) offsets(%dma_start3A_86 : memref<128xi32, #tpu.memory_space<vmem>>) semaphore(%arg13 : memref<!tpu.dma_semaphore, #tpu.memory_space<semaphore_mem>>)
    %dma_wait3A = arith.constant 0 : i32
    %dma_wait3A_90 = arith.constant 0 : i32
    %dma_wait3A_91 = arith.constant 0 : i32
    %dma_wait3A_92 = arith.constant 0 : i32
    %dma_wait3A_93 = arith.constant 0 : i32
    %dma_wait3A_94 = tpu.memref_slice %arg6[%dma_wait3A_91, %dma_wait3A_92, %dma_wait3A_93] : memref<5x128x128xf32, #tpu.memory_space<vmem>> -> memref<1x128x128xf32, #tpu.memory_space<vmem>>
    %dma_wait3A_95 = tpu.memref_squeeze %dma_wait3A_94 : memref<1x128x128xf32, #tpu.memory_space<vmem>> -> memref<128x128xf32, #tpu.memory_space<vmem>>
    %dma_wait3A_96 = arith.constant 0 : i32
    %dma_wait3A_97 = arith.constant 0 : i32
    %dma_wait3A_98 = tpu.memref_slice %dma_wait3A_95[%dma_wait3A_96, %dma_wait3A_97] : memref<128x128xf32, #tpu.memory_space<vmem>> -> memref<128x128xf32, #tpu.memory_space<vmem>>
    %dma_wait3A_99 = arith.constant 0 : i32
    %dma_wait3A_100 = tpu.memref_slice %arg5[%dma_wait3A, %dma_wait3A_90, %dma_wait3A_99] : memref<5x1x128xi32, #tpu.memory_space<vmem>> -> memref<1x1x128xi32, #tpu.memory_space<vmem>>
    %dma_wait3A_101 = tpu.memref_squeeze %dma_wait3A_100 : memref<1x1x128xi32, #tpu.memory_space<vmem>> -> memref<128xi32, #tpu.memory_space<vmem>>
    %dma_wait3A_102 = arith.constant 0 : i32
    %dma_wait3A_103 = arith.constant 0 : i32
    %dma_wait3A_104 = tpu.memref_slice %arg7[%dma_wait3A_102, %dma_wait3A_103] : memref<1000x128xf32, #tpu.memory_space<vmem_shared>> -> memref<1000x128xf32, #tpu.memory_space<vmem_shared>>
    tpu.wait_indirect_dma semaphore(%arg9 : memref<!tpu.dma_semaphore, #tpu.memory_space<semaphore_mem>>) src(%dma_wait3A_104 : memref<1000x128xf32, #tpu.memory_space<vmem_shared>>) dst(%dma_wait3A_98 : memref<128x128xf32, #tpu.memory_space<vmem>>)
    %add3A_105 = arith.constant 0 : i32
    %add3A_106 = arith.addi %mul3A_2, %add3A_105 : i32
    %dma_start3A_107 = arith.constant 0 : i32
    %dma_start3A_108 = arith.constant 0 : i32
    %dma_start3A_109 = arith.constant 0 : i32
    %dma_start3A_110 = tpu.memref_slice %arg6[%dma_start3A_107, %dma_start3A_108, %dma_start3A_109] : memref<5x128x128xf32, #tpu.memory_space<vmem>> -> memref<1x128x128xf32, #tpu.memory_space<vmem>>
    %dma_start3A_111 = tpu.memref_squeeze %dma_start3A_110 : memref<1x128x128xf32, #tpu.memory_space<vmem>> -> memref<128x128xf32, #tpu.memory_space<vmem>>
    %dma_start3A_112 = arith.constant 0 : i32
    %dma_start3A_113 = tpu.memref_slice %arg4[%add3A_106, %dma_start3A_112] : memref<819200x128xf32, #tpu.memory_space<hbm>> -> memref<128x128xf32, #tpu.memory_space<hbm>>
    %dma_start3A_114 = arith.constant 0 : i32
    %dma_start3A_115 = tpu.memref_slice %arg4[%add3A_106, %dma_start3A_114] : memref<819200x128xf32, #tpu.memory_space<hbm>> -> memref<128x128xf32, #tpu.memory_space<hbm>>
    %dma_start3A_116 = arith.constant 0 : i32
    %dma_start3A_117 = arith.constant 0 : i32
    %dma_start3A_118 = tpu.memref_slice %arg6[%dma_start3A_107, %dma_start3A_116, %dma_start3A_117] : memref<5x128x128xf32, #tpu.memory_space<vmem>> -> memref<1x128x128xf32, #tpu.memory_space<vmem>>
    %dma_start3A_119 = tpu.memref_squeeze %dma_start3A_118 : memref<1x128x128xf32, #tpu.memory_space<vmem>> -> memref<128x128xf32, #tpu.memory_space<vmem>>
    tpu.enqueue_dma source(%dma_start3A_119 : memref<128x128xf32, #tpu.memory_space<vmem>>) target(%dma_start3A_115 : memref<128x128xf32, #tpu.memory_space<hbm>>) target_semaphore(%arg14 : memref<!tpu.dma_semaphore, #tpu.memory_space<semaphore_mem>>)
    %dma_wait3A_120 = arith.constant 1 : i32
    %dma_wait3A_121 = arith.constant 0 : i32
    %dma_wait3A_122 = arith.constant 1 : i32
    %dma_wait3A_123 = arith.constant 0 : i32
    %dma_wait3A_124 = arith.constant 0 : i32
    %dma_wait3A_125 = tpu.memref_slice %arg6[%dma_wait3A_122, %dma_wait3A_123, %dma_wait3A_124] : memref<5x128x128xf32, #tpu.memory_space<vmem>> -> memref<1x128x128xf32, #tpu.memory_space<vmem>>
    %dma_wait3A_126 = tpu.memref_squeeze %dma_wait3A_125 : memref<1x128x128xf32, #tpu.memory_space<vmem>> -> memref<128x128xf32, #tpu.memory_space<vmem>>
    %dma_wait3A_127 = arith.constant 0 : i32
    %dma_wait3A_128 = arith.constant 0 : i32
    %dma_wait3A_129 = tpu.memref_slice %dma_wait3A_126[%dma_wait3A_127, %dma_wait3A_128] : memref<128x128xf32, #tpu.memory_space<vmem>> -> memref<128x128xf32, #tpu.memory_space<vmem>>
    %dma_wait3A_130 = arith.constant 0 : i32
    %dma_wait3A_131 = tpu.memref_slice %arg5[%dma_wait3A_120, %dma_wait3A_121, %dma_wait3A_130] : memref<5x1x128xi32, #tpu.memory_space<vmem>> -> memref<1x1x128xi32, #tpu.memory_space<vmem>>
    %dma_wait3A_132 = tpu.memref_squeeze %dma_wait3A_131 : memref<1x1x128xi32, #tpu.memory_space<vmem>> -> memref<128xi32, #tpu.memory_space<vmem>>
    %dma_wait3A_133 = arith.constant 0 : i32
    %dma_wait3A_134 = arith.constant 0 : i32
    %dma_wait3A_135 = tpu.memref_slice %arg7[%dma_wait3A_133, %dma_wait3A_134] : memref<1000x128xf32, #tpu.memory_space<vmem_shared>> -> memref<1000x128xf32, #tpu.memory_space<vmem_shared>>
    tpu.wait_indirect_dma semaphore(%arg10 : memref<!tpu.dma_semaphore, #tpu.memory_space<semaphore_mem>>) src(%dma_wait3A_135 : memref<1000x128xf32, #tpu.memory_space<vmem_shared>>) dst(%dma_wait3A_129 : memref<128x128xf32, #tpu.memory_space<vmem>>)
    %add3A_136 = arith.constant 128 : i32
    %add3A_137 = arith.addi %mul3A_2, %add3A_136 : i32
    %dma_start3A_138 = arith.constant 1 : i32
    %dma_start3A_139 = arith.constant 0 : i32
    %dma_start3A_140 = arith.constant 0 : i32
    %dma_start3A_141 = tpu.memref_slice %arg6[%dma_start3A_138, %dma_start3A_139, %dma_start3A_140] : memref<5x128x128xf32, #tpu.memory_space<vmem>> -> memref<1x128x128xf32, #tpu.memory_space<vmem>>
    %dma_start3A_142 = tpu.memref_squeeze %dma_start3A_141 : memref<1x128x128xf32, #tpu.memory_space<vmem>> -> memref<128x128xf32, #tpu.memory_space<vmem>>
    %dma_start3A_143 = arith.constant 0 : i32
    %dma_start3A_144 = tpu.memref_slice %arg4[%add3A_137, %dma_start3A_143] : memref<819200x128xf32, #tpu.memory_space<hbm>> -> memref<128x128xf32, #tpu.memory_space<hbm>>
    %dma_start3A_145 = arith.constant 0 : i32
    %dma_start3A_146 = tpu.memref_slice %arg4[%add3A_137, %dma_start3A_145] : memref<819200x128xf32, #tpu.memory_space<hbm>> -> memref<128x128xf32, #tpu.memory_space<hbm>>
    %dma_start3A_147 = arith.constant 0 : i32
    %dma_start3A_148 = arith.constant 0 : i32
    %dma_start3A_149 = tpu.memref_slice %arg6[%dma_start3A_138, %dma_start3A_147, %dma_start3A_148] : memref<5x128x128xf32, #tpu.memory_space<vmem>> -> memref<1x128x128xf32, #tpu.memory_space<vmem>>
    %dma_start3A_150 = tpu.memref_squeeze %dma_start3A_149 : memref<1x128x128xf32, #tpu.memory_space<vmem>> -> memref<128x128xf32, #tpu.memory_space<vmem>>
    tpu.enqueue_dma source(%dma_start3A_150 : memref<128x128xf32, #tpu.memory_space<vmem>>) target(%dma_start3A_146 : memref<128x128xf32, #tpu.memory_space<hbm>>) target_semaphore(%arg15 : memref<!tpu.dma_semaphore, #tpu.memory_space<semaphore_mem>>)
    %dma_wait3A_151 = arith.constant 2 : i32
    %dma_wait3A_152 = arith.constant 0 : i32
    %dma_wait3A_153 = arith.constant 2 : i32
    %dma_wait3A_154 = arith.constant 0 : i32
    %dma_wait3A_155 = arith.constant 0 : i32
    %dma_wait3A_156 = tpu.memref_slice %arg6[%dma_wait3A_153, %dma_wait3A_154, %dma_wait3A_155] : memref<5x128x128xf32, #tpu.memory_space<vmem>> -> memref<1x128x128xf32, #tpu.memory_space<vmem>>
    %dma_wait3A_157 = tpu.memref_squeeze %dma_wait3A_156 : memref<1x128x128xf32, #tpu.memory_space<vmem>> -> memref<128x128xf32, #tpu.memory_space<vmem>>
    %dma_wait3A_158 = arith.constant 0 : i32
    %dma_wait3A_159 = arith.constant 0 : i32
    %dma_wait3A_160 = tpu.memref_slice %dma_wait3A_157[%dma_wait3A_158, %dma_wait3A_159] : memref<128x128xf32, #tpu.memory_space<vmem>> -> memref<128x128xf32, #tpu.memory_space<vmem>>
    %dma_wait3A_161 = arith.constant 0 : i32
    %dma_wait3A_162 = tpu.memref_slice %arg5[%dma_wait3A_151, %dma_wait3A_152, %dma_wait3A_161] : memref<5x1x128xi32, #tpu.memory_space<vmem>> -> memref<1x1x128xi32, #tpu.memory_space<vmem>>
    %dma_wait3A_163 = tpu.memref_squeeze %dma_wait3A_162 : memref<1x1x128xi32, #tpu.memory_space<vmem>> -> memref<128xi32, #tpu.memory_space<vmem>>
    %dma_wait3A_164 = arith.constant 0 : i32
    %dma_wait3A_165 = arith.constant 0 : i32
    %dma_wait3A_166 = tpu.memref_slice %arg7[%dma_wait3A_164, %dma_wait3A_165] : memref<1000x128xf32, #tpu.memory_space<vmem_shared>> -> memref<1000x128xf32, #tpu.memory_space<vmem_shared>>
    tpu.wait_indirect_dma semaphore(%arg11 : memref<!tpu.dma_semaphore, #tpu.memory_space<semaphore_mem>>) src(%dma_wait3A_166 : memref<1000x128xf32, #tpu.memory_space<vmem_shared>>) dst(%dma_wait3A_160 : memref<128x128xf32, #tpu.memory_space<vmem>>)
    %add3A_167 = arith.constant 256 : i32
    %add3A_168 = arith.addi %mul3A_2, %add3A_167 : i32
    %dma_start3A_169 = arith.constant 2 : i32
    %dma_start3A_170 = arith.constant 0 : i32
    %dma_start3A_171 = arith.constant 0 : i32
    %dma_start3A_172 = tpu.memref_slice %arg6[%dma_start3A_169, %dma_start3A_170, %dma_start3A_171] : memref<5x128x128xf32, #tpu.memory_space<vmem>> -> memref<1x128x128xf32, #tpu.memory_space<vmem>>
    %dma_start3A_173 = tpu.memref_squeeze %dma_start3A_172 : memref<1x128x128xf32, #tpu.memory_space<vmem>> -> memref<128x128xf32, #tpu.memory_space<vmem>>
    %dma_start3A_174 = arith.constant 0 : i32
    %dma_start3A_175 = tpu.memref_slice %arg4[%add3A_168, %dma_start3A_174] : memref<819200x128xf32, #tpu.memory_space<hbm>> -> memref<128x128xf32, #tpu.memory_space<hbm>>
    %dma_start3A_176 = arith.constant 0 : i32
    %dma_start3A_177 = tpu.memref_slice %arg4[%add3A_168, %dma_start3A_176] : memref<819200x128xf32, #tpu.memory_space<hbm>> -> memref<128x128xf32, #tpu.memory_space<hbm>>
    %dma_start3A_178 = arith.constant 0 : i32
    %dma_start3A_179 = arith.constant 0 : i32
    %dma_start3A_180 = tpu.memref_slice %arg6[%dma_start3A_169, %dma_start3A_178, %dma_start3A_179] : memref<5x128x128xf32, #tpu.memory_space<vmem>> -> memref<1x128x128xf32, #tpu.memory_space<vmem>>
    %dma_start3A_181 = tpu.memref_squeeze %dma_start3A_180 : memref<1x128x128xf32, #tpu.memory_space<vmem>> -> memref<128x128xf32, #tpu.memory_space<vmem>>
    tpu.enqueue_dma source(%dma_start3A_181 : memref<128x128xf32, #tpu.memory_space<vmem>>) target(%dma_start3A_177 : memref<128x128xf32, #tpu.memory_space<hbm>>) target_semaphore(%arg16 : memref<!tpu.dma_semaphore, #tpu.memory_space<semaphore_mem>>)
    %dma_wait3A_182 = arith.constant 3 : i32
    %dma_wait3A_183 = arith.constant 0 : i32
    %dma_wait3A_184 = arith.constant 3 : i32
    %dma_wait3A_185 = arith.constant 0 : i32
    %dma_wait3A_186 = arith.constant 0 : i32
    %dma_wait3A_187 = tpu.memref_slice %arg6[%dma_wait3A_184, %dma_wait3A_185, %dma_wait3A_186] : memref<5x128x128xf32, #tpu.memory_space<vmem>> -> memref<1x128x128xf32, #tpu.memory_space<vmem>>
    %dma_wait3A_188 = tpu.memref_squeeze %dma_wait3A_187 : memref<1x128x128xf32, #tpu.memory_space<vmem>> -> memref<128x128xf32, #tpu.memory_space<vmem>>
    %dma_wait3A_189 = arith.constant 0 : i32
    %dma_wait3A_190 = arith.constant 0 : i32
    %dma_wait3A_191 = tpu.memref_slice %dma_wait3A_188[%dma_wait3A_189, %dma_wait3A_190] : memref<128x128xf32, #tpu.memory_space<vmem>> -> memref<128x128xf32, #tpu.memory_space<vmem>>
    %dma_wait3A_192 = arith.constant 0 : i32
    %dma_wait3A_193 = tpu.memref_slice %arg5[%dma_wait3A_182, %dma_wait3A_183, %dma_wait3A_192] : memref<5x1x128xi32, #tpu.memory_space<vmem>> -> memref<1x1x128xi32, #tpu.memory_space<vmem>>
    %dma_wait3A_194 = tpu.memref_squeeze %dma_wait3A_193 : memref<1x1x128xi32, #tpu.memory_space<vmem>> -> memref<128xi32, #tpu.memory_space<vmem>>
    %dma_wait3A_195 = arith.constant 0 : i32
    %dma_wait3A_196 = arith.constant 0 : i32
    %dma_wait3A_197 = tpu.memref_slice %arg7[%dma_wait3A_195, %dma_wait3A_196] : memref<1000x128xf32, #tpu.memory_space<vmem_shared>> -> memref<1000x128xf32, #tpu.memory_space<vmem_shared>>
    tpu.wait_indirect_dma semaphore(%arg12 : memref<!tpu.dma_semaphore, #tpu.memory_space<semaphore_mem>>) src(%dma_wait3A_197 : memref<1000x128xf32, #tpu.memory_space<vmem_shared>>) dst(%dma_wait3A_191 : memref<128x128xf32, #tpu.memory_space<vmem>>)
    %add3A_198 = arith.constant 384 : i32
    %add3A_199 = arith.addi %mul3A_2, %add3A_198 : i32
    %dma_start3A_200 = arith.constant 3 : i32
    %dma_start3A_201 = arith.constant 0 : i32
    %dma_start3A_202 = arith.constant 0 : i32
    %dma_start3A_203 = tpu.memref_slice %arg6[%dma_start3A_200, %dma_start3A_201, %dma_start3A_202] : memref<5x128x128xf32, #tpu.memory_space<vmem>> -> memref<1x128x128xf32, #tpu.memory_space<vmem>>
    %dma_start3A_204 = tpu.memref_squeeze %dma_start3A_203 : memref<1x128x128xf32, #tpu.memory_space<vmem>> -> memref<128x128xf32, #tpu.memory_space<vmem>>
    %dma_start3A_205 = arith.constant 0 : i32
    %dma_start3A_206 = tpu.memref_slice %arg4[%add3A_199, %dma_start3A_205] : memref<819200x128xf32, #tpu.memory_space<hbm>> -> memref<128x128xf32, #tpu.memory_space<hbm>>
    %dma_start3A_207 = arith.constant 0 : i32
    %dma_start3A_208 = tpu.memref_slice %arg4[%add3A_199, %dma_start3A_207] : memref<819200x128xf32, #tpu.memory_space<hbm>> -> memref<128x128xf32, #tpu.memory_space<hbm>>
    %dma_start3A_209 = arith.constant 0 : i32
    %dma_start3A_210 = arith.constant 0 : i32
    %dma_start3A_211 = tpu.memref_slice %arg6[%dma_start3A_200, %dma_start3A_209, %dma_start3A_210] : memref<5x128x128xf32, #tpu.memory_space<vmem>> -> memref<1x128x128xf32, #tpu.memory_space<vmem>>
    %dma_start3A_212 = tpu.memref_squeeze %dma_start3A_211 : memref<1x128x128xf32, #tpu.memory_space<vmem>> -> memref<128x128xf32, #tpu.memory_space<vmem>>
    tpu.enqueue_dma source(%dma_start3A_212 : memref<128x128xf32, #tpu.memory_space<vmem>>) target(%dma_start3A_208 : memref<128x128xf32, #tpu.memory_space<hbm>>) target_semaphore(%arg17 : memref<!tpu.dma_semaphore, #tpu.memory_space<semaphore_mem>>)
    %scan3A = arith.constant 0 : i32
    %scan3A_213 = arith.constant 1 : i32
    %scan3A_214 = arith.constant 39 : i32
    %scan3A_215 = arith.addi %scan3A_213, %scan3A_214 : i32
    %scan3A_216 = arith.constant 1 : i32
    scf.for %scan3A_324 = %scan3A_213 to %scan3A_215 step %scan3A_216  : i32 {
      %mul3A_325 = arith.constant 5 : i32
      %mul3A_326 = arith.muli %mul3A_325, %scan3A_324 : i32
      %add3A_327 = arith.constant 0 : i32
      %add3A_328 = arith.addi %mul3A_326, %add3A_327 : i32
      %sub3A = arith.constant 5 : i32
      %sub3A_329 = arith.subi %add3A_328, %sub3A : i32
      %mul3A_330 = arith.constant 128 : i32
      %mul3A_331 = arith.muli %sub3A_329, %mul3A_330 : i32
      %add3A_332 = arith.addi %mul3A_2, %mul3A_331 : i32
      %dma_wait3A_333 = arith.constant 0 : i32
      %dma_wait3A_334 = arith.constant 0 : i32
      %dma_wait3A_335 = arith.constant 0 : i32
      %dma_wait3A_336 = tpu.memref_slice %arg6[%dma_wait3A_333, %dma_wait3A_334, %dma_wait3A_335] : memref<5x128x128xf32, #tpu.memory_space<vmem>> -> memref<1x128x128xf32, #tpu.memory_space<vmem>>
      %dma_wait3A_337 = tpu.memref_squeeze %dma_wait3A_336 : memref<1x128x128xf32, #tpu.memory_space<vmem>> -> memref<128x128xf32, #tpu.memory_space<vmem>>
      %dma_wait3A_338 = arith.constant 0 : i32
      %dma_wait3A_339 = tpu.memref_slice %arg4[%add3A_332, %dma_wait3A_338] : memref<819200x128xf32, #tpu.memory_space<hbm>> -> memref<128x128xf32, #tpu.memory_space<hbm>>
      %dma_wait3A_340 = arith.constant 0 : i32
      %dma_wait3A_341 = tpu.memref_slice %arg4[%add3A_332, %dma_wait3A_340] : memref<819200x128xf32, #tpu.memory_space<hbm>> -> memref<128x128xf32, #tpu.memory_space<hbm>>
      %dma_wait3A_342 = arith.constant 0 : i32
      %dma_wait3A_343 = arith.constant 0 : i32
      %dma_wait3A_344 = tpu.memref_slice %arg6[%dma_wait3A_333, %dma_wait3A_342, %dma_wait3A_343] : memref<5x128x128xf32, #tpu.memory_space<vmem>> -> memref<1x128x128xf32, #tpu.memory_space<vmem>>
      %dma_wait3A_345 = tpu.memref_squeeze %dma_wait3A_344 : memref<1x128x128xf32, #tpu.memory_space<vmem>> -> memref<128x128xf32, #tpu.memory_space<vmem>>
      tpu.wait_dma2 semaphore(%arg14 : memref<!tpu.dma_semaphore, #tpu.memory_space<semaphore_mem>>) src(%dma_wait3A_345 : memref<128x128xf32, #tpu.memory_space<vmem>>) dst(%dma_wait3A_341 : memref<128x128xf32, #tpu.memory_space<hbm>>)
      %mul3A_346 = arith.constant 1 : i32
      %mul3A_347 = arith.muli %add3A_328, %mul3A_346 : i32
      %run_scoped3A_348 = arith.constant 0 : i32
      "tpu.region"() ({
        %run_scoped3A_699 = tpu.sem_alloc : memref<!tpu.dma_semaphore, #tpu.memory_space<semaphore_mem>>
        %dma_start3A_700 = arith.constant 0 : i32
        %dma_start3A_701 = arith.constant 0 : i32
        %dma_start3A_702 = tpu.memref_slice %arg5[%run_scoped3A_348, %dma_start3A_700, %dma_start3A_701] : memref<5x1x128xi32, #tpu.memory_space<vmem>> -> memref<1x1x128xi32, #tpu.memory_space<vmem>>
        %dma_start3A_703 = tpu.memref_squeeze %dma_start3A_702 : memref<1x1x128xi32, #tpu.memory_space<vmem>> -> memref<1x128xi32, #tpu.memory_space<vmem>>
        %dma_start3A_704 = arith.constant 0 : i32
        %dma_start3A_705 = arith.constant 0 : i32
        %dma_start3A_706 = tpu.memref_slice %arg8[%arg1, %dma_start3A_704, %dma_start3A_705] : memref<16x200x128xi32, #tpu.memory_space<vmem_shared>> -> memref<1x200x128xi32, #tpu.memory_space<vmem_shared>>
        %dma_start3A_707 = tpu.memref_squeeze %dma_start3A_706 : memref<1x200x128xi32, #tpu.memory_space<vmem_shared>> -> memref<200x128xi32, #tpu.memory_space<vmem_shared>>
        %dma_start3A_708 = arith.constant 0 : i32
        %dma_start3A_709 = tpu.memref_slice %dma_start3A_707[%mul3A_347, %dma_start3A_708] : memref<200x128xi32, #tpu.memory_space<vmem_shared>> -> memref<1x128xi32, #tpu.memory_space<vmem_shared>>
        %dma_start3A_710 = arith.constant 0 : i32
        %dma_start3A_711 = arith.constant 0 : i32
        %dma_start3A_712 = tpu.memref_slice %arg5[%run_scoped3A_348, %dma_start3A_710, %dma_start3A_711] : memref<5x1x128xi32, #tpu.memory_space<vmem>> -> memref<1x1x128xi32, #tpu.memory_space<vmem>>
        %dma_start3A_713 = tpu.memref_squeeze %dma_start3A_712 : memref<1x1x128xi32, #tpu.memory_space<vmem>> -> memref<1x128xi32, #tpu.memory_space<vmem>>
        %dma_start3A_714 = arith.constant 0 : i32
        %dma_start3A_715 = arith.constant 0 : i32
        %dma_start3A_716 = tpu.memref_slice %arg8[%arg1, %dma_start3A_714, %dma_start3A_715] : memref<16x200x128xi32, #tpu.memory_space<vmem_shared>> -> memref<1x200x128xi32, #tpu.memory_space<vmem_shared>>
        %dma_start3A_717 = tpu.memref_squeeze %dma_start3A_716 : memref<1x200x128xi32, #tpu.memory_space<vmem_shared>> -> memref<200x128xi32, #tpu.memory_space<vmem_shared>>
        %dma_start3A_718 = arith.constant 0 : i32
        %dma_start3A_719 = tpu.memref_slice %dma_start3A_717[%mul3A_347, %dma_start3A_718] : memref<200x128xi32, #tpu.memory_space<vmem_shared>> -> memref<1x128xi32, #tpu.memory_space<vmem_shared>>
        tpu.enqueue_dma source(%dma_start3A_719 : memref<1x128xi32, #tpu.memory_space<vmem_shared>>) target(%dma_start3A_713 : memref<1x128xi32, #tpu.memory_space<vmem>>) target_semaphore(%run_scoped3A_699 : memref<!tpu.dma_semaphore, #tpu.memory_space<semaphore_mem>>)
        %dma_wait3A_720 = arith.constant 0 : i32
        %dma_wait3A_721 = arith.constant 0 : i32
        %dma_wait3A_722 = tpu.memref_slice %arg5[%run_scoped3A_348, %dma_wait3A_720, %dma_wait3A_721] : memref<5x1x128xi32, #tpu.memory_space<vmem>> -> memref<1x1x128xi32, #tpu.memory_space<vmem>>
        %dma_wait3A_723 = tpu.memref_squeeze %dma_wait3A_722 : memref<1x1x128xi32, #tpu.memory_space<vmem>> -> memref<1x128xi32, #tpu.memory_space<vmem>>
        %dma_wait3A_724 = arith.constant 0 : i32
        %dma_wait3A_725 = arith.constant 0 : i32
        %dma_wait3A_726 = tpu.memref_slice %arg8[%arg1, %dma_wait3A_724, %dma_wait3A_725] : memref<16x200x128xi32, #tpu.memory_space<vmem_shared>> -> memref<1x200x128xi32, #tpu.memory_space<vmem_shared>>
        %dma_wait3A_727 = tpu.memref_squeeze %dma_wait3A_726 : memref<1x200x128xi32, #tpu.memory_space<vmem_shared>> -> memref<200x128xi32, #tpu.memory_space<vmem_shared>>
        %dma_wait3A_728 = arith.constant 0 : i32
        %dma_wait3A_729 = tpu.memref_slice %dma_wait3A_727[%mul3A_347, %dma_wait3A_728] : memref<200x128xi32, #tpu.memory_space<vmem_shared>> -> memref<1x128xi32, #tpu.memory_space<vmem_shared>>
        %dma_wait3A_730 = arith.constant 0 : i32
        %dma_wait3A_731 = arith.constant 0 : i32
        %dma_wait3A_732 = tpu.memref_slice %arg5[%run_scoped3A_348, %dma_wait3A_730, %dma_wait3A_731] : memref<5x1x128xi32, #tpu.memory_space<vmem>> -> memref<1x1x128xi32, #tpu.memory_space<vmem>>
        %dma_wait3A_733 = tpu.memref_squeeze %dma_wait3A_732 : memref<1x1x128xi32, #tpu.memory_space<vmem>> -> memref<1x128xi32, #tpu.memory_space<vmem>>
        %dma_wait3A_734 = arith.constant 0 : i32
        %dma_wait3A_735 = arith.constant 0 : i32
        %dma_wait3A_736 = tpu.memref_slice %arg8[%arg1, %dma_wait3A_734, %dma_wait3A_735] : memref<16x200x128xi32, #tpu.memory_space<vmem_shared>> -> memref<1x200x128xi32, #tpu.memory_space<vmem_shared>>
        %dma_wait3A_737 = tpu.memref_squeeze %dma_wait3A_736 : memref<1x200x128xi32, #tpu.memory_space<vmem_shared>> -> memref<200x128xi32, #tpu.memory_space<vmem_shared>>
        %dma_wait3A_738 = arith.constant 0 : i32
        %dma_wait3A_739 = tpu.memref_slice %dma_wait3A_737[%mul3A_347, %dma_wait3A_738] : memref<200x128xi32, #tpu.memory_space<vmem_shared>> -> memref<1x128xi32, #tpu.memory_space<vmem_shared>>
        tpu.wait_dma2 semaphore(%run_scoped3A_699 : memref<!tpu.dma_semaphore, #tpu.memory_space<semaphore_mem>>) src(%dma_wait3A_739 : memref<1x128xi32, #tpu.memory_space<vmem_shared>>) dst(%dma_wait3A_733 : memref<1x128xi32, #tpu.memory_space<vmem>>)
        tpu.yield
      }) : () -> ()
      %dma_start3A_349 = arith.constant 0 : i32
      %dma_start3A_350 = arith.constant 0 : i32
      %dma_start3A_351 = arith.constant 0 : i32
      %dma_start3A_352 = arith.constant 0 : i32
      %dma_start3A_353 = arith.constant 0 : i32
      %dma_start3A_354 = tpu.memref_slice %arg6[%dma_start3A_351, %dma_start3A_352, %dma_start3A_353] : memref<5x128x128xf32, #tpu.memory_space<vmem>> -> memref<1x128x128xf32, #tpu.memory_space<vmem>>
      %dma_start3A_355 = tpu.memref_squeeze %dma_start3A_354 : memref<1x128x128xf32, #tpu.memory_space<vmem>> -> memref<128x128xf32, #tpu.memory_space<vmem>>
      %dma_start3A_356 = arith.constant 0 : i32
      %dma_start3A_357 = arith.constant 0 : i32
      %dma_start3A_358 = tpu.memref_slice %dma_start3A_355[%dma_start3A_356, %dma_start3A_357] : memref<128x128xf32, #tpu.memory_space<vmem>> -> memref<128x128xf32, #tpu.memory_space<vmem>>
      %dma_start3A_359 = arith.constant 0 : i32
      %dma_start3A_360 = tpu.memref_slice %arg5[%dma_start3A_349, %dma_start3A_350, %dma_start3A_359] : memref<5x1x128xi32, #tpu.memory_space<vmem>> -> memref<1x1x128xi32, #tpu.memory_space<vmem>>
      %dma_start3A_361 = tpu.memref_squeeze %dma_start3A_360 : memref<1x1x128xi32, #tpu.memory_space<vmem>> -> memref<128xi32, #tpu.memory_space<vmem>>
      %dma_start3A_362 = arith.constant 0 : i32
      %dma_start3A_363 = arith.constant 0 : i32
      %dma_start3A_364 = tpu.memref_slice %arg7[%dma_start3A_362, %dma_start3A_363] : memref<1000x128xf32, #tpu.memory_space<vmem_shared>> -> memref<1000x128xf32, #tpu.memory_space<vmem_shared>>
      tpu.enqueue_indirect_dma source(%dma_start3A_364 : memref<1000x128xf32, #tpu.memory_space<vmem_shared>>) target(%dma_start3A_358 : memref<128x128xf32, #tpu.memory_space<vmem>>) offsets(%dma_start3A_361 : memref<128xi32, #tpu.memory_space<vmem>>) semaphore(%arg9 : memref<!tpu.dma_semaphore, #tpu.memory_space<semaphore_mem>>)
      %dma_wait3A_365 = arith.constant 4 : i32
      %dma_wait3A_366 = arith.constant 0 : i32
      %dma_wait3A_367 = arith.constant 4 : i32
      %dma_wait3A_368 = arith.constant 0 : i32
      %dma_wait3A_369 = arith.constant 0 : i32
      %dma_wait3A_370 = tpu.memref_slice %arg6[%dma_wait3A_367, %dma_wait3A_368, %dma_wait3A_369] : memref<5x128x128xf32, #tpu.memory_space<vmem>> -> memref<1x128x128xf32, #tpu.memory_space<vmem>>
      %dma_wait3A_371 = tpu.memref_squeeze %dma_wait3A_370 : memref<1x128x128xf32, #tpu.memory_space<vmem>> -> memref<128x128xf32, #tpu.memory_space<vmem>>
      %dma_wait3A_372 = arith.constant 0 : i32
      %dma_wait3A_373 = arith.constant 0 : i32
      %dma_wait3A_374 = tpu.memref_slice %dma_wait3A_371[%dma_wait3A_372, %dma_wait3A_373] : memref<128x128xf32, #tpu.memory_space<vmem>> -> memref<128x128xf32, #tpu.memory_space<vmem>>
      %dma_wait3A_375 = arith.constant 0 : i32
      %dma_wait3A_376 = tpu.memref_slice %arg5[%dma_wait3A_365, %dma_wait3A_366, %dma_wait3A_375] : memref<5x1x128xi32, #tpu.memory_space<vmem>> -> memref<1x1x128xi32, #tpu.memory_space<vmem>>
      %dma_wait3A_377 = tpu.memref_squeeze %dma_wait3A_376 : memref<1x1x128xi32, #tpu.memory_space<vmem>> -> memref<128xi32, #tpu.memory_space<vmem>>
      %dma_wait3A_378 = arith.constant 0 : i32
      %dma_wait3A_379 = arith.constant 0 : i32
      %dma_wait3A_380 = tpu.memref_slice %arg7[%dma_wait3A_378, %dma_wait3A_379] : memref<1000x128xf32, #tpu.memory_space<vmem_shared>> -> memref<1000x128xf32, #tpu.memory_space<vmem_shared>>
      tpu.wait_indirect_dma semaphore(%arg13 : memref<!tpu.dma_semaphore, #tpu.memory_space<semaphore_mem>>) src(%dma_wait3A_380 : memref<1000x128xf32, #tpu.memory_space<vmem_shared>>) dst(%dma_wait3A_374 : memref<128x128xf32, #tpu.memory_space<vmem>>)
      %sub3A_381 = arith.constant 1 : i32
      %sub3A_382 = arith.subi %add3A_328, %sub3A_381 : i32
      %mul3A_383 = arith.constant 128 : i32
      %mul3A_384 = arith.muli %sub3A_382, %mul3A_383 : i32
      %add3A_385 = arith.addi %mul3A_2, %mul3A_384 : i32
      %dma_start3A_386 = arith.constant 4 : i32
      %dma_start3A_387 = arith.constant 0 : i32
      %dma_start3A_388 = arith.constant 0 : i32
      %dma_start3A_389 = tpu.memref_slice %arg6[%dma_start3A_386, %dma_start3A_387, %dma_start3A_388] : memref<5x128x128xf32, #tpu.memory_space<vmem>> -> memref<1x128x128xf32, #tpu.memory_space<vmem>>
      %dma_start3A_390 = tpu.memref_squeeze %dma_start3A_389 : memref<1x128x128xf32, #tpu.memory_space<vmem>> -> memref<128x128xf32, #tpu.memory_space<vmem>>
      %dma_start3A_391 = arith.constant 0 : i32
      %dma_start3A_392 = tpu.memref_slice %arg4[%add3A_385, %dma_start3A_391] : memref<819200x128xf32, #tpu.memory_space<hbm>> -> memref<128x128xf32, #tpu.memory_space<hbm>>
      %dma_start3A_393 = arith.constant 0 : i32
      %dma_start3A_394 = tpu.memref_slice %arg4[%add3A_385, %dma_start3A_393] : memref<819200x128xf32, #tpu.memory_space<hbm>> -> memref<128x128xf32, #tpu.memory_space<hbm>>
      %dma_start3A_395 = arith.constant 0 : i32
      %dma_start3A_396 = arith.constant 0 : i32
      %dma_start3A_397 = tpu.memref_slice %arg6[%dma_start3A_386, %dma_start3A_395, %dma_start3A_396] : memref<5x128x128xf32, #tpu.memory_space<vmem>> -> memref<1x128x128xf32, #tpu.memory_space<vmem>>
      %dma_start3A_398 = tpu.memref_squeeze %dma_start3A_397 : memref<1x128x128xf32, #tpu.memory_space<vmem>> -> memref<128x128xf32, #tpu.memory_space<vmem>>
      tpu.enqueue_dma source(%dma_start3A_398 : memref<128x128xf32, #tpu.memory_space<vmem>>) target(%dma_start3A_394 : memref<128x128xf32, #tpu.memory_space<hbm>>) target_semaphore(%arg18 : memref<!tpu.dma_semaphore, #tpu.memory_space<semaphore_mem>>)
      %mul3A_399 = arith.constant 5 : i32
      %mul3A_400 = arith.muli %mul3A_399, %scan3A_324 : i32
      %add3A_401 = arith.constant 1 : i32
      %add3A_402 = arith.addi %mul3A_400, %add3A_401 : i32
      %sub3A_403 = arith.constant 5 : i32
      %sub3A_404 = arith.subi %add3A_402, %sub3A_403 : i32
      %mul3A_405 = arith.constant 128 : i32
      %mul3A_406 = arith.muli %sub3A_404, %mul3A_405 : i32
      %add3A_407 = arith.addi %mul3A_2, %mul3A_406 : i32
      %dma_wait3A_408 = arith.constant 1 : i32
      %dma_wait3A_409 = arith.constant 0 : i32
      %dma_wait3A_410 = arith.constant 0 : i32
      %dma_wait3A_411 = tpu.memref_slice %arg6[%dma_wait3A_408, %dma_wait3A_409, %dma_wait3A_410] : memref<5x128x128xf32, #tpu.memory_space<vmem>> -> memref<1x128x128xf32, #tpu.memory_space<vmem>>
      %dma_wait3A_412 = tpu.memref_squeeze %dma_wait3A_411 : memref<1x128x128xf32, #tpu.memory_space<vmem>> -> memref<128x128xf32, #tpu.memory_space<vmem>>
      %dma_wait3A_413 = arith.constant 0 : i32
      %dma_wait3A_414 = tpu.memref_slice %arg4[%add3A_407, %dma_wait3A_413] : memref<819200x128xf32, #tpu.memory_space<hbm>> -> memref<128x128xf32, #tpu.memory_space<hbm>>
      %dma_wait3A_415 = arith.constant 0 : i32
      %dma_wait3A_416 = tpu.memref_slice %arg4[%add3A_407, %dma_wait3A_415] : memref<819200x128xf32, #tpu.memory_space<hbm>> -> memref<128x128xf32, #tpu.memory_space<hbm>>
      %dma_wait3A_417 = arith.constant 0 : i32
      %dma_wait3A_418 = arith.constant 0 : i32
      %dma_wait3A_419 = tpu.memref_slice %arg6[%dma_wait3A_408, %dma_wait3A_417, %dma_wait3A_418] : memref<5x128x128xf32, #tpu.memory_space<vmem>> -> memref<1x128x128xf32, #tpu.memory_space<vmem>>
      %dma_wait3A_420 = tpu.memref_squeeze %dma_wait3A_419 : memref<1x128x128xf32, #tpu.memory_space<vmem>> -> memref<128x128xf32, #tpu.memory_space<vmem>>
      tpu.wait_dma2 semaphore(%arg15 : memref<!tpu.dma_semaphore, #tpu.memory_space<semaphore_mem>>) src(%dma_wait3A_420 : memref<128x128xf32, #tpu.memory_space<vmem>>) dst(%dma_wait3A_416 : memref<128x128xf32, #tpu.memory_space<hbm>>)
      %mul3A_421 = arith.constant 1 : i32
      %mul3A_422 = arith.muli %add3A_402, %mul3A_421 : i32
      %run_scoped3A_423 = arith.constant 1 : i32
      "tpu.region"() ({
        %run_scoped3A_699 = tpu.sem_alloc : memref<!tpu.dma_semaphore, #tpu.memory_space<semaphore_mem>>
        %dma_start3A_700 = arith.constant 0 : i32
        %dma_start3A_701 = arith.constant 0 : i32
        %dma_start3A_702 = tpu.memref_slice %arg5[%run_scoped3A_423, %dma_start3A_700, %dma_start3A_701] : memref<5x1x128xi32, #tpu.memory_space<vmem>> -> memref<1x1x128xi32, #tpu.memory_space<vmem>>
        %dma_start3A_703 = tpu.memref_squeeze %dma_start3A_702 : memref<1x1x128xi32, #tpu.memory_space<vmem>> -> memref<1x128xi32, #tpu.memory_space<vmem>>
        %dma_start3A_704 = arith.constant 0 : i32
        %dma_start3A_705 = arith.constant 0 : i32
        %dma_start3A_706 = tpu.memref_slice %arg8[%arg1, %dma_start3A_704, %dma_start3A_705] : memref<16x200x128xi32, #tpu.memory_space<vmem_shared>> -> memref<1x200x128xi32, #tpu.memory_space<vmem_shared>>
        %dma_start3A_707 = tpu.memref_squeeze %dma_start3A_706 : memref<1x200x128xi32, #tpu.memory_space<vmem_shared>> -> memref<200x128xi32, #tpu.memory_space<vmem_shared>>
        %dma_start3A_708 = arith.constant 0 : i32
        %dma_start3A_709 = tpu.memref_slice %dma_start3A_707[%mul3A_422, %dma_start3A_708] : memref<200x128xi32, #tpu.memory_space<vmem_shared>> -> memref<1x128xi32, #tpu.memory_space<vmem_shared>>
        %dma_start3A_710 = arith.constant 0 : i32
        %dma_start3A_711 = arith.constant 0 : i32
        %dma_start3A_712 = tpu.memref_slice %arg5[%run_scoped3A_423, %dma_start3A_710, %dma_start3A_711] : memref<5x1x128xi32, #tpu.memory_space<vmem>> -> memref<1x1x128xi32, #tpu.memory_space<vmem>>
        %dma_start3A_713 = tpu.memref_squeeze %dma_start3A_712 : memref<1x1x128xi32, #tpu.memory_space<vmem>> -> memref<1x128xi32, #tpu.memory_space<vmem>>
        %dma_start3A_714 = arith.constant 0 : i32
        %dma_start3A_715 = arith.constant 0 : i32
        %dma_start3A_716 = tpu.memref_slice %arg8[%arg1, %dma_start3A_714, %dma_start3A_715] : memref<16x200x128xi32, #tpu.memory_space<vmem_shared>> -> memref<1x200x128xi32, #tpu.memory_space<vmem_shared>>
        %dma_start3A_717 = tpu.memref_squeeze %dma_start3A_716 : memref<1x200x128xi32, #tpu.memory_space<vmem_shared>> -> memref<200x128xi32, #tpu.memory_space<vmem_shared>>
        %dma_start3A_718 = arith.constant 0 : i32
        %dma_start3A_719 = tpu.memref_slice %dma_start3A_717[%mul3A_422, %dma_start3A_718] : memref<200x128xi32, #tpu.memory_space<vmem_shared>> -> memref<1x128xi32, #tpu.memory_space<vmem_shared>>
        tpu.enqueue_dma source(%dma_start3A_719 : memref<1x128xi32, #tpu.memory_space<vmem_shared>>) target(%dma_start3A_713 : memref<1x128xi32, #tpu.memory_space<vmem>>) target_semaphore(%run_scoped3A_699 : memref<!tpu.dma_semaphore, #tpu.memory_space<semaphore_mem>>)
        %dma_wait3A_720 = arith.constant 0 : i32
        %dma_wait3A_721 = arith.constant 0 : i32
        %dma_wait3A_722 = tpu.memref_slice %arg5[%run_scoped3A_423, %dma_wait3A_720, %dma_wait3A_721] : memref<5x1x128xi32, #tpu.memory_space<vmem>> -> memref<1x1x128xi32, #tpu.memory_space<vmem>>
        %dma_wait3A_723 = tpu.memref_squeeze %dma_wait3A_722 : memref<1x1x128xi32, #tpu.memory_space<vmem>> -> memref<1x128xi32, #tpu.memory_space<vmem>>
        %dma_wait3A_724 = arith.constant 0 : i32
        %dma_wait3A_725 = arith.constant 0 : i32
        %dma_wait3A_726 = tpu.memref_slice %arg8[%arg1, %dma_wait3A_724, %dma_wait3A_725] : memref<16x200x128xi32, #tpu.memory_space<vmem_shared>> -> memref<1x200x128xi32, #tpu.memory_space<vmem_shared>>
        %dma_wait3A_727 = tpu.memref_squeeze %dma_wait3A_726 : memref<1x200x128xi32, #tpu.memory_space<vmem_shared>> -> memref<200x128xi32, #tpu.memory_space<vmem_shared>>
        %dma_wait3A_728 = arith.constant 0 : i32
        %dma_wait3A_729 = tpu.memref_slice %dma_wait3A_727[%mul3A_422, %dma_wait3A_728] : memref<200x128xi32, #tpu.memory_space<vmem_shared>> -> memref<1x128xi32, #tpu.memory_space<vmem_shared>>
        %dma_wait3A_730 = arith.constant 0 : i32
        %dma_wait3A_731 = arith.constant 0 : i32
        %dma_wait3A_732 = tpu.memref_slice %arg5[%run_scoped3A_423, %dma_wait3A_730, %dma_wait3A_731] : memref<5x1x128xi32, #tpu.memory_space<vmem>> -> memref<1x1x128xi32, #tpu.memory_space<vmem>>
        %dma_wait3A_733 = tpu.memref_squeeze %dma_wait3A_732 : memref<1x1x128xi32, #tpu.memory_space<vmem>> -> memref<1x128xi32, #tpu.memory_space<vmem>>
        %dma_wait3A_734 = arith.constant 0 : i32
        %dma_wait3A_735 = arith.constant 0 : i32
        %dma_wait3A_736 = tpu.memref_slice %arg8[%arg1, %dma_wait3A_734, %dma_wait3A_735] : memref<16x200x128xi32, #tpu.memory_space<vmem_shared>> -> memref<1x200x128xi32, #tpu.memory_space<vmem_shared>>
        %dma_wait3A_737 = tpu.memref_squeeze %dma_wait3A_736 : memref<1x200x128xi32, #tpu.memory_space<vmem_shared>> -> memref<200x128xi32, #tpu.memory_space<vmem_shared>>
        %dma_wait3A_738 = arith.constant 0 : i32
        %dma_wait3A_739 = tpu.memref_slice %dma_wait3A_737[%mul3A_422, %dma_wait3A_738] : memref<200x128xi32, #tpu.memory_space<vmem_shared>> -> memref<1x128xi32, #tpu.memory_space<vmem_shared>>
        tpu.wait_dma2 semaphore(%run_scoped3A_699 : memref<!tpu.dma_semaphore, #tpu.memory_space<semaphore_mem>>) src(%dma_wait3A_739 : memref<1x128xi32, #tpu.memory_space<vmem_shared>>) dst(%dma_wait3A_733 : memref<1x128xi32, #tpu.memory_space<vmem>>)
        tpu.yield
      }) : () -> ()
      %dma_start3A_424 = arith.constant 1 : i32
      %dma_start3A_425 = arith.constant 0 : i32
      %dma_start3A_426 = arith.constant 1 : i32
      %dma_start3A_427 = arith.constant 0 : i32
      %dma_start3A_428 = arith.constant 0 : i32
      %dma_start3A_429 = tpu.memref_slice %arg6[%dma_start3A_426, %dma_start3A_427, %dma_start3A_428] : memref<5x128x128xf32, #tpu.memory_space<vmem>> -> memref<1x128x128xf32, #tpu.memory_space<vmem>>
      %dma_start3A_430 = tpu.memref_squeeze %dma_start3A_429 : memref<1x128x128xf32, #tpu.memory_space<vmem>> -> memref<128x128xf32, #tpu.memory_space<vmem>>
      %dma_start3A_431 = arith.constant 0 : i32
      %dma_start3A_432 = arith.constant 0 : i32
      %dma_start3A_433 = tpu.memref_slice %dma_start3A_430[%dma_start3A_431, %dma_start3A_432] : memref<128x128xf32, #tpu.memory_space<vmem>> -> memref<128x128xf32, #tpu.memory_space<vmem>>
      %dma_start3A_434 = arith.constant 0 : i32
      %dma_start3A_435 = tpu.memref_slice %arg5[%dma_start3A_424, %dma_start3A_425, %dma_start3A_434] : memref<5x1x128xi32, #tpu.memory_space<vmem>> -> memref<1x1x128xi32, #tpu.memory_space<vmem>>
      %dma_start3A_436 = tpu.memref_squeeze %dma_start3A_435 : memref<1x1x128xi32, #tpu.memory_space<vmem>> -> memref<128xi32, #tpu.memory_space<vmem>>
      %dma_start3A_437 = arith.constant 0 : i32
      %dma_start3A_438 = arith.constant 0 : i32
      %dma_start3A_439 = tpu.memref_slice %arg7[%dma_start3A_437, %dma_start3A_438] : memref<1000x128xf32, #tpu.memory_space<vmem_shared>> -> memref<1000x128xf32, #tpu.memory_space<vmem_shared>>
      tpu.enqueue_indirect_dma source(%dma_start3A_439 : memref<1000x128xf32, #tpu.memory_space<vmem_shared>>) target(%dma_start3A_433 : memref<128x128xf32, #tpu.memory_space<vmem>>) offsets(%dma_start3A_436 : memref<128xi32, #tpu.memory_space<vmem>>) semaphore(%arg10 : memref<!tpu.dma_semaphore, #tpu.memory_space<semaphore_mem>>)
      %dma_wait3A_440 = arith.constant 0 : i32
      %dma_wait3A_441 = arith.constant 0 : i32
      %dma_wait3A_442 = arith.constant 0 : i32
      %dma_wait3A_443 = arith.constant 0 : i32
      %dma_wait3A_444 = arith.constant 0 : i32
      %dma_wait3A_445 = tpu.memref_slice %arg6[%dma_wait3A_442, %dma_wait3A_443, %dma_wait3A_444] : memref<5x128x128xf32, #tpu.memory_space<vmem>> -> memref<1x128x128xf32, #tpu.memory_space<vmem>>
      %dma_wait3A_446 = tpu.memref_squeeze %dma_wait3A_445 : memref<1x128x128xf32, #tpu.memory_space<vmem>> -> memref<128x128xf32, #tpu.memory_space<vmem>>
      %dma_wait3A_447 = arith.constant 0 : i32
      %dma_wait3A_448 = arith.constant 0 : i32
      %dma_wait3A_449 = tpu.memref_slice %dma_wait3A_446[%dma_wait3A_447, %dma_wait3A_448] : memref<128x128xf32, #tpu.memory_space<vmem>> -> memref<128x128xf32, #tpu.memory_space<vmem>>
      %dma_wait3A_450 = arith.constant 0 : i32
      %dma_wait3A_451 = tpu.memref_slice %arg5[%dma_wait3A_440, %dma_wait3A_441, %dma_wait3A_450] : memref<5x1x128xi32, #tpu.memory_space<vmem>> -> memref<1x1x128xi32, #tpu.memory_space<vmem>>
      %dma_wait3A_452 = tpu.memref_squeeze %dma_wait3A_451 : memref<1x1x128xi32, #tpu.memory_space<vmem>> -> memref<128xi32, #tpu.memory_space<vmem>>
      %dma_wait3A_453 = arith.constant 0 : i32
      %dma_wait3A_454 = arith.constant 0 : i32
      %dma_wait3A_455 = tpu.memref_slice %arg7[%dma_wait3A_453, %dma_wait3A_454] : memref<1000x128xf32, #tpu.memory_space<vmem_shared>> -> memref<1000x128xf32, #tpu.memory_space<vmem_shared>>
      tpu.wait_indirect_dma semaphore(%arg9 : memref<!tpu.dma_semaphore, #tpu.memory_space<semaphore_mem>>) src(%dma_wait3A_455 : memref<1000x128xf32, #tpu.memory_space<vmem_shared>>) dst(%dma_wait3A_449 : memref<128x128xf32, #tpu.memory_space<vmem>>)
      %sub3A_456 = arith.constant 1 : i32
      %sub3A_457 = arith.subi %add3A_402, %sub3A_456 : i32
      %mul3A_458 = arith.constant 128 : i32
      %mul3A_459 = arith.muli %sub3A_457, %mul3A_458 : i32
      %add3A_460 = arith.addi %mul3A_2, %mul3A_459 : i32
      %dma_start3A_461 = arith.constant 0 : i32
      %dma_start3A_462 = arith.constant 0 : i32
      %dma_start3A_463 = arith.constant 0 : i32
      %dma_start3A_464 = tpu.memref_slice %arg6[%dma_start3A_461, %dma_start3A_462, %dma_start3A_463] : memref<5x128x128xf32, #tpu.memory_space<vmem>> -> memref<1x128x128xf32, #tpu.memory_space<vmem>>
      %dma_start3A_465 = tpu.memref_squeeze %dma_start3A_464 : memref<1x128x128xf32, #tpu.memory_space<vmem>> -> memref<128x128xf32, #tpu.memory_space<vmem>>
      %dma_start3A_466 = arith.constant 0 : i32
      %dma_start3A_467 = tpu.memref_slice %arg4[%add3A_460, %dma_start3A_466] : memref<819200x128xf32, #tpu.memory_space<hbm>> -> memref<128x128xf32, #tpu.memory_space<hbm>>
      %dma_start3A_468 = arith.constant 0 : i32
      %dma_start3A_469 = tpu.memref_slice %arg4[%add3A_460, %dma_start3A_468] : memref<819200x128xf32, #tpu.memory_space<hbm>> -> memref<128x128xf32, #tpu.memory_space<hbm>>
      %dma_start3A_470 = arith.constant 0 : i32
      %dma_start3A_471 = arith.constant 0 : i32
      %dma_start3A_472 = tpu.memref_slice %arg6[%dma_start3A_461, %dma_start3A_470, %dma_start3A_471] : memref<5x128x128xf32, #tpu.memory_space<vmem>> -> memref<1x128x128xf32, #tpu.memory_space<vmem>>
      %dma_start3A_473 = tpu.memref_squeeze %dma_start3A_472 : memref<1x128x128xf32, #tpu.memory_space<vmem>> -> memref<128x128xf32, #tpu.memory_space<vmem>>
      tpu.enqueue_dma source(%dma_start3A_473 : memref<128x128xf32, #tpu.memory_space<vmem>>) target(%dma_start3A_469 : memref<128x128xf32, #tpu.memory_space<hbm>>) target_semaphore(%arg14 : memref<!tpu.dma_semaphore, #tpu.memory_space<semaphore_mem>>)
      %mul3A_474 = arith.constant 5 : i32
      %mul3A_475 = arith.muli %mul3A_474, %scan3A_324 : i32
      %add3A_476 = arith.constant 2 : i32
      %add3A_477 = arith.addi %mul3A_475, %add3A_476 : i32
      %sub3A_478 = arith.constant 5 : i32
      %sub3A_479 = arith.subi %add3A_477, %sub3A_478 : i32
      %mul3A_480 = arith.constant 128 : i32
      %mul3A_481 = arith.muli %sub3A_479, %mul3A_480 : i32
      %add3A_482 = arith.addi %mul3A_2, %mul3A_481 : i32
      %dma_wait3A_483 = arith.constant 2 : i32
      %dma_wait3A_484 = arith.constant 0 : i32
      %dma_wait3A_485 = arith.constant 0 : i32
      %dma_wait3A_486 = tpu.memref_slice %arg6[%dma_wait3A_483, %dma_wait3A_484, %dma_wait3A_485] : memref<5x128x128xf32, #tpu.memory_space<vmem>> -> memref<1x128x128xf32, #tpu.memory_space<vmem>>
      %dma_wait3A_487 = tpu.memref_squeeze %dma_wait3A_486 : memref<1x128x128xf32, #tpu.memory_space<vmem>> -> memref<128x128xf32, #tpu.memory_space<vmem>>
      %dma_wait3A_488 = arith.constant 0 : i32
      %dma_wait3A_489 = tpu.memref_slice %arg4[%add3A_482, %dma_wait3A_488] : memref<819200x128xf32, #tpu.memory_space<hbm>> -> memref<128x128xf32, #tpu.memory_space<hbm>>
      %dma_wait3A_490 = arith.constant 0 : i32
      %dma_wait3A_491 = tpu.memref_slice %arg4[%add3A_482, %dma_wait3A_490] : memref<819200x128xf32, #tpu.memory_space<hbm>> -> memref<128x128xf32, #tpu.memory_space<hbm>>
      %dma_wait3A_492 = arith.constant 0 : i32
      %dma_wait3A_493 = arith.constant 0 : i32
      %dma_wait3A_494 = tpu.memref_slice %arg6[%dma_wait3A_483, %dma_wait3A_492, %dma_wait3A_493] : memref<5x128x128xf32, #tpu.memory_space<vmem>> -> memref<1x128x128xf32, #tpu.memory_space<vmem>>
      %dma_wait3A_495 = tpu.memref_squeeze %dma_wait3A_494 : memref<1x128x128xf32, #tpu.memory_space<vmem>> -> memref<128x128xf32, #tpu.memory_space<vmem>>
      tpu.wait_dma2 semaphore(%arg16 : memref<!tpu.dma_semaphore, #tpu.memory_space<semaphore_mem>>) src(%dma_wait3A_495 : memref<128x128xf32, #tpu.memory_space<vmem>>) dst(%dma_wait3A_491 : memref<128x128xf32, #tpu.memory_space<hbm>>)
      %mul3A_496 = arith.constant 1 : i32
      %mul3A_497 = arith.muli %add3A_477, %mul3A_496 : i32
      %run_scoped3A_498 = arith.constant 2 : i32
      "tpu.region"() ({
        %run_scoped3A_699 = tpu.sem_alloc : memref<!tpu.dma_semaphore, #tpu.memory_space<semaphore_mem>>
        %dma_start3A_700 = arith.constant 0 : i32
        %dma_start3A_701 = arith.constant 0 : i32
        %dma_start3A_702 = tpu.memref_slice %arg5[%run_scoped3A_498, %dma_start3A_700, %dma_start3A_701] : memref<5x1x128xi32, #tpu.memory_space<vmem>> -> memref<1x1x128xi32, #tpu.memory_space<vmem>>
        %dma_start3A_703 = tpu.memref_squeeze %dma_start3A_702 : memref<1x1x128xi32, #tpu.memory_space<vmem>> -> memref<1x128xi32, #tpu.memory_space<vmem>>
        %dma_start3A_704 = arith.constant 0 : i32
        %dma_start3A_705 = arith.constant 0 : i32
        %dma_start3A_706 = tpu.memref_slice %arg8[%arg1, %dma_start3A_704, %dma_start3A_705] : memref<16x200x128xi32, #tpu.memory_space<vmem_shared>> -> memref<1x200x128xi32, #tpu.memory_space<vmem_shared>>
        %dma_start3A_707 = tpu.memref_squeeze %dma_start3A_706 : memref<1x200x128xi32, #tpu.memory_space<vmem_shared>> -> memref<200x128xi32, #tpu.memory_space<vmem_shared>>
        %dma_start3A_708 = arith.constant 0 : i32
        %dma_start3A_709 = tpu.memref_slice %dma_start3A_707[%mul3A_497, %dma_start3A_708] : memref<200x128xi32, #tpu.memory_space<vmem_shared>> -> memref<1x128xi32, #tpu.memory_space<vmem_shared>>
        %dma_start3A_710 = arith.constant 0 : i32
        %dma_start3A_711 = arith.constant 0 : i32
        %dma_start3A_712 = tpu.memref_slice %arg5[%run_scoped3A_498, %dma_start3A_710, %dma_start3A_711] : memref<5x1x128xi32, #tpu.memory_space<vmem>> -> memref<1x1x128xi32, #tpu.memory_space<vmem>>
        %dma_start3A_713 = tpu.memref_squeeze %dma_start3A_712 : memref<1x1x128xi32, #tpu.memory_space<vmem>> -> memref<1x128xi32, #tpu.memory_space<vmem>>
        %dma_start3A_714 = arith.constant 0 : i32
        %dma_start3A_715 = arith.constant 0 : i32
        %dma_start3A_716 = tpu.memref_slice %arg8[%arg1, %dma_start3A_714, %dma_start3A_715] : memref<16x200x128xi32, #tpu.memory_space<vmem_shared>> -> memref<1x200x128xi32, #tpu.memory_space<vmem_shared>>
        %dma_start3A_717 = tpu.memref_squeeze %dma_start3A_716 : memref<1x200x128xi32, #tpu.memory_space<vmem_shared>> -> memref<200x128xi32, #tpu.memory_space<vmem_shared>>
        %dma_start3A_718 = arith.constant 0 : i32
        %dma_start3A_719 = tpu.memref_slice %dma_start3A_717[%mul3A_497, %dma_start3A_718] : memref<200x128xi32, #tpu.memory_space<vmem_shared>> -> memref<1x128xi32, #tpu.memory_space<vmem_shared>>
        tpu.enqueue_dma source(%dma_start3A_719 : memref<1x128xi32, #tpu.memory_space<vmem_shared>>) target(%dma_start3A_713 : memref<1x128xi32, #tpu.memory_space<vmem>>) target_semaphore(%run_scoped3A_699 : memref<!tpu.dma_semaphore, #tpu.memory_space<semaphore_mem>>)
        %dma_wait3A_720 = arith.constant 0 : i32
        %dma_wait3A_721 = arith.constant 0 : i32
        %dma_wait3A_722 = tpu.memref_slice %arg5[%run_scoped3A_498, %dma_wait3A_720, %dma_wait3A_721] : memref<5x1x128xi32, #tpu.memory_space<vmem>> -> memref<1x1x128xi32, #tpu.memory_space<vmem>>
        %dma_wait3A_723 = tpu.memref_squeeze %dma_wait3A_722 : memref<1x1x128xi32, #tpu.memory_space<vmem>> -> memref<1x128xi32, #tpu.memory_space<vmem>>
        %dma_wait3A_724 = arith.constant 0 : i32
        %dma_wait3A_725 = arith.constant 0 : i32
        %dma_wait3A_726 = tpu.memref_slice %arg8[%arg1, %dma_wait3A_724, %dma_wait3A_725] : memref<16x200x128xi32, #tpu.memory_space<vmem_shared>> -> memref<1x200x128xi32, #tpu.memory_space<vmem_shared>>
        %dma_wait3A_727 = tpu.memref_squeeze %dma_wait3A_726 : memref<1x200x128xi32, #tpu.memory_space<vmem_shared>> -> memref<200x128xi32, #tpu.memory_space<vmem_shared>>
        %dma_wait3A_728 = arith.constant 0 : i32
        %dma_wait3A_729 = tpu.memref_slice %dma_wait3A_727[%mul3A_497, %dma_wait3A_728] : memref<200x128xi32, #tpu.memory_space<vmem_shared>> -> memref<1x128xi32, #tpu.memory_space<vmem_shared>>
        %dma_wait3A_730 = arith.constant 0 : i32
        %dma_wait3A_731 = arith.constant 0 : i32
        %dma_wait3A_732 = tpu.memref_slice %arg5[%run_scoped3A_498, %dma_wait3A_730, %dma_wait3A_731] : memref<5x1x128xi32, #tpu.memory_space<vmem>> -> memref<1x1x128xi32, #tpu.memory_space<vmem>>
        %dma_wait3A_733 = tpu.memref_squeeze %dma_wait3A_732 : memref<1x1x128xi32, #tpu.memory_space<vmem>> -> memref<1x128xi32, #tpu.memory_space<vmem>>
        %dma_wait3A_734 = arith.constant 0 : i32
        %dma_wait3A_735 = arith.constant 0 : i32
        %dma_wait3A_736 = tpu.memref_slice %arg8[%arg1, %dma_wait3A_734, %dma_wait3A_735] : memref<16x200x128xi32, #tpu.memory_space<vmem_shared>> -> memref<1x200x128xi32, #tpu.memory_space<vmem_shared>>
        %dma_wait3A_737 = tpu.memref_squeeze %dma_wait3A_736 : memref<1x200x128xi32, #tpu.memory_space<vmem_shared>> -> memref<200x128xi32, #tpu.memory_space<vmem_shared>>
        %dma_wait3A_738 = arith.constant 0 : i32
        %dma_wait3A_739 = tpu.memref_slice %dma_wait3A_737[%mul3A_497, %dma_wait3A_738] : memref<200x128xi32, #tpu.memory_space<vmem_shared>> -> memref<1x128xi32, #tpu.memory_space<vmem_shared>>
        tpu.wait_dma2 semaphore(%run_scoped3A_699 : memref<!tpu.dma_semaphore, #tpu.memory_space<semaphore_mem>>) src(%dma_wait3A_739 : memref<1x128xi32, #tpu.memory_space<vmem_shared>>) dst(%dma_wait3A_733 : memref<1x128xi32, #tpu.memory_space<vmem>>)
        tpu.yield
      }) : () -> ()
      %dma_start3A_499 = arith.constant 2 : i32
      %dma_start3A_500 = arith.constant 0 : i32
      %dma_start3A_501 = arith.constant 2 : i32
      %dma_start3A_502 = arith.constant 0 : i32
      %dma_start3A_503 = arith.constant 0 : i32
      %dma_start3A_504 = tpu.memref_slice %arg6[%dma_start3A_501, %dma_start3A_502, %dma_start3A_503] : memref<5x128x128xf32, #tpu.memory_space<vmem>> -> memref<1x128x128xf32, #tpu.memory_space<vmem>>
      %dma_start3A_505 = tpu.memref_squeeze %dma_start3A_504 : memref<1x128x128xf32, #tpu.memory_space<vmem>> -> memref<128x128xf32, #tpu.memory_space<vmem>>
      %dma_start3A_506 = arith.constant 0 : i32
      %dma_start3A_507 = arith.constant 0 : i32
      %dma_start3A_508 = tpu.memref_slice %dma_start3A_505[%dma_start3A_506, %dma_start3A_507] : memref<128x128xf32, #tpu.memory_space<vmem>> -> memref<128x128xf32, #tpu.memory_space<vmem>>
      %dma_start3A_509 = arith.constant 0 : i32
      %dma_start3A_510 = tpu.memref_slice %arg5[%dma_start3A_499, %dma_start3A_500, %dma_start3A_509] : memref<5x1x128xi32, #tpu.memory_space<vmem>> -> memref<1x1x128xi32, #tpu.memory_space<vmem>>
      %dma_start3A_511 = tpu.memref_squeeze %dma_start3A_510 : memref<1x1x128xi32, #tpu.memory_space<vmem>> -> memref<128xi32, #tpu.memory_space<vmem>>
      %dma_start3A_512 = arith.constant 0 : i32
      %dma_start3A_513 = arith.constant 0 : i32
      %dma_start3A_514 = tpu.memref_slice %arg7[%dma_start3A_512, %dma_start3A_513] : memref<1000x128xf32, #tpu.memory_space<vmem_shared>> -> memref<1000x128xf32, #tpu.memory_space<vmem_shared>>
      tpu.enqueue_indirect_dma source(%dma_start3A_514 : memref<1000x128xf32, #tpu.memory_space<vmem_shared>>) target(%dma_start3A_508 : memref<128x128xf32, #tpu.memory_space<vmem>>) offsets(%dma_start3A_511 : memref<128xi32, #tpu.memory_space<vmem>>) semaphore(%arg11 : memref<!tpu.dma_semaphore, #tpu.memory_space<semaphore_mem>>)
      %dma_wait3A_515 = arith.constant 1 : i32
      %dma_wait3A_516 = arith.constant 0 : i32
      %dma_wait3A_517 = arith.constant 1 : i32
      %dma_wait3A_518 = arith.constant 0 : i32
      %dma_wait3A_519 = arith.constant 0 : i32
      %dma_wait3A_520 = tpu.memref_slice %arg6[%dma_wait3A_517, %dma_wait3A_518, %dma_wait3A_519] : memref<5x128x128xf32, #tpu.memory_space<vmem>> -> memref<1x128x128xf32, #tpu.memory_space<vmem>>
      %dma_wait3A_521 = tpu.memref_squeeze %dma_wait3A_520 : memref<1x128x128xf32, #tpu.memory_space<vmem>> -> memref<128x128xf32, #tpu.memory_space<vmem>>
      %dma_wait3A_522 = arith.constant 0 : i32
      %dma_wait3A_523 = arith.constant 0 : i32
      %dma_wait3A_524 = tpu.memref_slice %dma_wait3A_521[%dma_wait3A_522, %dma_wait3A_523] : memref<128x128xf32, #tpu.memory_space<vmem>> -> memref<128x128xf32, #tpu.memory_space<vmem>>
      %dma_wait3A_525 = arith.constant 0 : i32
      %dma_wait3A_526 = tpu.memref_slice %arg5[%dma_wait3A_515, %dma_wait3A_516, %dma_wait3A_525] : memref<5x1x128xi32, #tpu.memory_space<vmem>> -> memref<1x1x128xi32, #tpu.memory_space<vmem>>
      %dma_wait3A_527 = tpu.memref_squeeze %dma_wait3A_526 : memref<1x1x128xi32, #tpu.memory_space<vmem>> -> memref<128xi32, #tpu.memory_space<vmem>>
      %dma_wait3A_528 = arith.constant 0 : i32
      %dma_wait3A_529 = arith.constant 0 : i32
      %dma_wait3A_530 = tpu.memref_slice %arg7[%dma_wait3A_528, %dma_wait3A_529] : memref<1000x128xf32, #tpu.memory_space<vmem_shared>> -> memref<1000x128xf32, #tpu.memory_space<vmem_shared>>
      tpu.wait_indirect_dma semaphore(%arg10 : memref<!tpu.dma_semaphore, #tpu.memory_space<semaphore_mem>>) src(%dma_wait3A_530 : memref<1000x128xf32, #tpu.memory_space<vmem_shared>>) dst(%dma_wait3A_524 : memref<128x128xf32, #tpu.memory_space<vmem>>)
      %sub3A_531 = arith.constant 1 : i32
      %sub3A_532 = arith.subi %add3A_477, %sub3A_531 : i32
      %mul3A_533 = arith.constant 128 : i32
      %mul3A_534 = arith.muli %sub3A_532, %mul3A_533 : i32
      %add3A_535 = arith.addi %mul3A_2, %mul3A_534 : i32
      %dma_start3A_536 = arith.constant 1 : i32
      %dma_start3A_537 = arith.constant 0 : i32
      %dma_start3A_538 = arith.constant 0 : i32
      %dma_start3A_539 = tpu.memref_slice %arg6[%dma_start3A_536, %dma_start3A_537, %dma_start3A_538] : memref<5x128x128xf32, #tpu.memory_space<vmem>> -> memref<1x128x128xf32, #tpu.memory_space<vmem>>
      %dma_start3A_540 = tpu.memref_squeeze %dma_start3A_539 : memref<1x128x128xf32, #tpu.memory_space<vmem>> -> memref<128x128xf32, #tpu.memory_space<vmem>>
      %dma_start3A_541 = arith.constant 0 : i32
      %dma_start3A_542 = tpu.memref_slice %arg4[%add3A_535, %dma_start3A_541] : memref<819200x128xf32, #tpu.memory_space<hbm>> -> memref<128x128xf32, #tpu.memory_space<hbm>>
      %dma_start3A_543 = arith.constant 0 : i32
      %dma_start3A_544 = tpu.memref_slice %arg4[%add3A_535, %dma_start3A_543] : memref<819200x128xf32, #tpu.memory_space<hbm>> -> memref<128x128xf32, #tpu.memory_space<hbm>>
      %dma_start3A_545 = arith.constant 0 : i32
      %dma_start3A_546 = arith.constant 0 : i32
      %dma_start3A_547 = tpu.memref_slice %arg6[%dma_start3A_536, %dma_start3A_545, %dma_start3A_546] : memref<5x128x128xf32, #tpu.memory_space<vmem>> -> memref<1x128x128xf32, #tpu.memory_space<vmem>>
      %dma_start3A_548 = tpu.memref_squeeze %dma_start3A_547 : memref<1x128x128xf32, #tpu.memory_space<vmem>> -> memref<128x128xf32, #tpu.memory_space<vmem>>
      tpu.enqueue_dma source(%dma_start3A_548 : memref<128x128xf32, #tpu.memory_space<vmem>>) target(%dma_start3A_544 : memref<128x128xf32, #tpu.memory_space<hbm>>) target_semaphore(%arg15 : memref<!tpu.dma_semaphore, #tpu.memory_space<semaphore_mem>>)
      %mul3A_549 = arith.constant 5 : i32
      %mul3A_550 = arith.muli %mul3A_549, %scan3A_324 : i32
      %add3A_551 = arith.constant 3 : i32
      %add3A_552 = arith.addi %mul3A_550, %add3A_551 : i32
      %sub3A_553 = arith.constant 5 : i32
      %sub3A_554 = arith.subi %add3A_552, %sub3A_553 : i32
      %mul3A_555 = arith.constant 128 : i32
      %mul3A_556 = arith.muli %sub3A_554, %mul3A_555 : i32
      %add3A_557 = arith.addi %mul3A_2, %mul3A_556 : i32
      %dma_wait3A_558 = arith.constant 3 : i32
      %dma_wait3A_559 = arith.constant 0 : i32
      %dma_wait3A_560 = arith.constant 0 : i32
      %dma_wait3A_561 = tpu.memref_slice %arg6[%dma_wait3A_558, %dma_wait3A_559, %dma_wait3A_560] : memref<5x128x128xf32, #tpu.memory_space<vmem>> -> memref<1x128x128xf32, #tpu.memory_space<vmem>>
      %dma_wait3A_562 = tpu.memref_squeeze %dma_wait3A_561 : memref<1x128x128xf32, #tpu.memory_space<vmem>> -> memref<128x128xf32, #tpu.memory_space<vmem>>
      %dma_wait3A_563 = arith.constant 0 : i32
      %dma_wait3A_564 = tpu.memref_slice %arg4[%add3A_557, %dma_wait3A_563] : memref<819200x128xf32, #tpu.memory_space<hbm>> -> memref<128x128xf32, #tpu.memory_space<hbm>>
      %dma_wait3A_565 = arith.constant 0 : i32
      %dma_wait3A_566 = tpu.memref_slice %arg4[%add3A_557, %dma_wait3A_565] : memref<819200x128xf32, #tpu.memory_space<hbm>> -> memref<128x128xf32, #tpu.memory_space<hbm>>
      %dma_wait3A_567 = arith.constant 0 : i32
      %dma_wait3A_568 = arith.constant 0 : i32
      %dma_wait3A_569 = tpu.memref_slice %arg6[%dma_wait3A_558, %dma_wait3A_567, %dma_wait3A_568] : memref<5x128x128xf32, #tpu.memory_space<vmem>> -> memref<1x128x128xf32, #tpu.memory_space<vmem>>
      %dma_wait3A_570 = tpu.memref_squeeze %dma_wait3A_569 : memref<1x128x128xf32, #tpu.memory_space<vmem>> -> memref<128x128xf32, #tpu.memory_space<vmem>>
      tpu.wait_dma2 semaphore(%arg17 : memref<!tpu.dma_semaphore, #tpu.memory_space<semaphore_mem>>) src(%dma_wait3A_570 : memref<128x128xf32, #tpu.memory_space<vmem>>) dst(%dma_wait3A_566 : memref<128x128xf32, #tpu.memory_space<hbm>>)
      %mul3A_571 = arith.constant 1 : i32
      %mul3A_572 = arith.muli %add3A_552, %mul3A_571 : i32
      %run_scoped3A_573 = arith.constant 3 : i32
      "tpu.region"() ({
        %run_scoped3A_699 = tpu.sem_alloc : memref<!tpu.dma_semaphore, #tpu.memory_space<semaphore_mem>>
        %dma_start3A_700 = arith.constant 0 : i32
        %dma_start3A_701 = arith.constant 0 : i32
        %dma_start3A_702 = tpu.memref_slice %arg5[%run_scoped3A_573, %dma_start3A_700, %dma_start3A_701] : memref<5x1x128xi32, #tpu.memory_space<vmem>> -> memref<1x1x128xi32, #tpu.memory_space<vmem>>
        %dma_start3A_703 = tpu.memref_squeeze %dma_start3A_702 : memref<1x1x128xi32, #tpu.memory_space<vmem>> -> memref<1x128xi32, #tpu.memory_space<vmem>>
        %dma_start3A_704 = arith.constant 0 : i32
        %dma_start3A_705 = arith.constant 0 : i32
        %dma_start3A_706 = tpu.memref_slice %arg8[%arg1, %dma_start3A_704, %dma_start3A_705] : memref<16x200x128xi32, #tpu.memory_space<vmem_shared>> -> memref<1x200x128xi32, #tpu.memory_space<vmem_shared>>
        %dma_start3A_707 = tpu.memref_squeeze %dma_start3A_706 : memref<1x200x128xi32, #tpu.memory_space<vmem_shared>> -> memref<200x128xi32, #tpu.memory_space<vmem_shared>>
        %dma_start3A_708 = arith.constant 0 : i32
        %dma_start3A_709 = tpu.memref_slice %dma_start3A_707[%mul3A_572, %dma_start3A_708] : memref<200x128xi32, #tpu.memory_space<vmem_shared>> -> memref<1x128xi32, #tpu.memory_space<vmem_shared>>
        %dma_start3A_710 = arith.constant 0 : i32
        %dma_start3A_711 = arith.constant 0 : i32
        %dma_start3A_712 = tpu.memref_slice %arg5[%run_scoped3A_573, %dma_start3A_710, %dma_start3A_711] : memref<5x1x128xi32, #tpu.memory_space<vmem>> -> memref<1x1x128xi32, #tpu.memory_space<vmem>>
        %dma_start3A_713 = tpu.memref_squeeze %dma_start3A_712 : memref<1x1x128xi32, #tpu.memory_space<vmem>> -> memref<1x128xi32, #tpu.memory_space<vmem>>
        %dma_start3A_714 = arith.constant 0 : i32
        %dma_start3A_715 = arith.constant 0 : i32
        %dma_start3A_716 = tpu.memref_slice %arg8[%arg1, %dma_start3A_714, %dma_start3A_715] : memref<16x200x128xi32, #tpu.memory_space<vmem_shared>> -> memref<1x200x128xi32, #tpu.memory_space<vmem_shared>>
        %dma_start3A_717 = tpu.memref_squeeze %dma_start3A_716 : memref<1x200x128xi32, #tpu.memory_space<vmem_shared>> -> memref<200x128xi32, #tpu.memory_space<vmem_shared>>
        %dma_start3A_718 = arith.constant 0 : i32
        %dma_start3A_719 = tpu.memref_slice %dma_start3A_717[%mul3A_572, %dma_start3A_718] : memref<200x128xi32, #tpu.memory_space<vmem_shared>> -> memref<1x128xi32, #tpu.memory_space<vmem_shared>>
        tpu.enqueue_dma source(%dma_start3A_719 : memref<1x128xi32, #tpu.memory_space<vmem_shared>>) target(%dma_start3A_713 : memref<1x128xi32, #tpu.memory_space<vmem>>) target_semaphore(%run_scoped3A_699 : memref<!tpu.dma_semaphore, #tpu.memory_space<semaphore_mem>>)
        %dma_wait3A_720 = arith.constant 0 : i32
        %dma_wait3A_721 = arith.constant 0 : i32
        %dma_wait3A_722 = tpu.memref_slice %arg5[%run_scoped3A_573, %dma_wait3A_720, %dma_wait3A_721] : memref<5x1x128xi32, #tpu.memory_space<vmem>> -> memref<1x1x128xi32, #tpu.memory_space<vmem>>
        %dma_wait3A_723 = tpu.memref_squeeze %dma_wait3A_722 : memref<1x1x128xi32, #tpu.memory_space<vmem>> -> memref<1x128xi32, #tpu.memory_space<vmem>>
        %dma_wait3A_724 = arith.constant 0 : i32
        %dma_wait3A_725 = arith.constant 0 : i32
        %dma_wait3A_726 = tpu.memref_slice %arg8[%arg1, %dma_wait3A_724, %dma_wait3A_725] : memref<16x200x128xi32, #tpu.memory_space<vmem_shared>> -> memref<1x200x128xi32, #tpu.memory_space<vmem_shared>>
        %dma_wait3A_727 = tpu.memref_squeeze %dma_wait3A_726 : memref<1x200x128xi32, #tpu.memory_space<vmem_shared>> -> memref<200x128xi32, #tpu.memory_space<vmem_shared>>
        %dma_wait3A_728 = arith.constant 0 : i32
        %dma_wait3A_729 = tpu.memref_slice %dma_wait3A_727[%mul3A_572, %dma_wait3A_728] : memref<200x128xi32, #tpu.memory_space<vmem_shared>> -> memref<1x128xi32, #tpu.memory_space<vmem_shared>>
        %dma_wait3A_730 = arith.constant 0 : i32
        %dma_wait3A_731 = arith.constant 0 : i32
        %dma_wait3A_732 = tpu.memref_slice %arg5[%run_scoped3A_573, %dma_wait3A_730, %dma_wait3A_731] : memref<5x1x128xi32, #tpu.memory_space<vmem>> -> memref<1x1x128xi32, #tpu.memory_space<vmem>>
        %dma_wait3A_733 = tpu.memref_squeeze %dma_wait3A_732 : memref<1x1x128xi32, #tpu.memory_space<vmem>> -> memref<1x128xi32, #tpu.memory_space<vmem>>
        %dma_wait3A_734 = arith.constant 0 : i32
        %dma_wait3A_735 = arith.constant 0 : i32
        %dma_wait3A_736 = tpu.memref_slice %arg8[%arg1, %dma_wait3A_734, %dma_wait3A_735] : memref<16x200x128xi32, #tpu.memory_space<vmem_shared>> -> memref<1x200x128xi32, #tpu.memory_space<vmem_shared>>
        %dma_wait3A_737 = tpu.memref_squeeze %dma_wait3A_736 : memref<1x200x128xi32, #tpu.memory_space<vmem_shared>> -> memref<200x128xi32, #tpu.memory_space<vmem_shared>>
        %dma_wait3A_738 = arith.constant 0 : i32
        %dma_wait3A_739 = tpu.memref_slice %dma_wait3A_737[%mul3A_572, %dma_wait3A_738] : memref<200x128xi32, #tpu.memory_space<vmem_shared>> -> memref<1x128xi32, #tpu.memory_space<vmem_shared>>
        tpu.wait_dma2 semaphore(%run_scoped3A_699 : memref<!tpu.dma_semaphore, #tpu.memory_space<semaphore_mem>>) src(%dma_wait3A_739 : memref<1x128xi32, #tpu.memory_space<vmem_shared>>) dst(%dma_wait3A_733 : memref<1x128xi32, #tpu.memory_space<vmem>>)
        tpu.yield
      }) : () -> ()
      %dma_start3A_574 = arith.constant 3 : i32
      %dma_start3A_575 = arith.constant 0 : i32
      %dma_start3A_576 = arith.constant 3 : i32
      %dma_start3A_577 = arith.constant 0 : i32
      %dma_start3A_578 = arith.constant 0 : i32
      %dma_start3A_579 = tpu.memref_slice %arg6[%dma_start3A_576, %dma_start3A_577, %dma_start3A_578] : memref<5x128x128xf32, #tpu.memory_space<vmem>> -> memref<1x128x128xf32, #tpu.memory_space<vmem>>
      %dma_start3A_580 = tpu.memref_squeeze %dma_start3A_579 : memref<1x128x128xf32, #tpu.memory_space<vmem>> -> memref<128x128xf32, #tpu.memory_space<vmem>>
      %dma_start3A_581 = arith.constant 0 : i32
      %dma_start3A_582 = arith.constant 0 : i32
      %dma_start3A_583 = tpu.memref_slice %dma_start3A_580[%dma_start3A_581, %dma_start3A_582] : memref<128x128xf32, #tpu.memory_space<vmem>> -> memref<128x128xf32, #tpu.memory_space<vmem>>
      %dma_start3A_584 = arith.constant 0 : i32
      %dma_start3A_585 = tpu.memref_slice %arg5[%dma_start3A_574, %dma_start3A_575, %dma_start3A_584] : memref<5x1x128xi32, #tpu.memory_space<vmem>> -> memref<1x1x128xi32, #tpu.memory_space<vmem>>
      %dma_start3A_586 = tpu.memref_squeeze %dma_start3A_585 : memref<1x1x128xi32, #tpu.memory_space<vmem>> -> memref<128xi32, #tpu.memory_space<vmem>>
      %dma_start3A_587 = arith.constant 0 : i32
      %dma_start3A_588 = arith.constant 0 : i32
      %dma_start3A_589 = tpu.memref_slice %arg7[%dma_start3A_587, %dma_start3A_588] : memref<1000x128xf32, #tpu.memory_space<vmem_shared>> -> memref<1000x128xf32, #tpu.memory_space<vmem_shared>>
      tpu.enqueue_indirect_dma source(%dma_start3A_589 : memref<1000x128xf32, #tpu.memory_space<vmem_shared>>) target(%dma_start3A_583 : memref<128x128xf32, #tpu.memory_space<vmem>>) offsets(%dma_start3A_586 : memref<128xi32, #tpu.memory_space<vmem>>) semaphore(%arg12 : memref<!tpu.dma_semaphore, #tpu.memory_space<semaphore_mem>>)
      %dma_wait3A_590 = arith.constant 2 : i32
      %dma_wait3A_591 = arith.constant 0 : i32
      %dma_wait3A_592 = arith.constant 2 : i32
      %dma_wait3A_593 = arith.constant 0 : i32
      %dma_wait3A_594 = arith.constant 0 : i32
      %dma_wait3A_595 = tpu.memref_slice %arg6[%dma_wait3A_592, %dma_wait3A_593, %dma_wait3A_594] : memref<5x128x128xf32, #tpu.memory_space<vmem>> -> memref<1x128x128xf32, #tpu.memory_space<vmem>>
      %dma_wait3A_596 = tpu.memref_squeeze %dma_wait3A_595 : memref<1x128x128xf32, #tpu.memory_space<vmem>> -> memref<128x128xf32, #tpu.memory_space<vmem>>
      %dma_wait3A_597 = arith.constant 0 : i32
      %dma_wait3A_598 = arith.constant 0 : i32
      %dma_wait3A_599 = tpu.memref_slice %dma_wait3A_596[%dma_wait3A_597, %dma_wait3A_598] : memref<128x128xf32, #tpu.memory_space<vmem>> -> memref<128x128xf32, #tpu.memory_space<vmem>>
      %dma_wait3A_600 = arith.constant 0 : i32
      %dma_wait3A_601 = tpu.memref_slice %arg5[%dma_wait3A_590, %dma_wait3A_591, %dma_wait3A_600] : memref<5x1x128xi32, #tpu.memory_space<vmem>> -> memref<1x1x128xi32, #tpu.memory_space<vmem>>
      %dma_wait3A_602 = tpu.memref_squeeze %dma_wait3A_601 : memref<1x1x128xi32, #tpu.memory_space<vmem>> -> memref<128xi32, #tpu.memory_space<vmem>>
      %dma_wait3A_603 = arith.constant 0 : i32
      %dma_wait3A_604 = arith.constant 0 : i32
      %dma_wait3A_605 = tpu.memref_slice %arg7[%dma_wait3A_603, %dma_wait3A_604] : memref<1000x128xf32, #tpu.memory_space<vmem_shared>> -> memref<1000x128xf32, #tpu.memory_space<vmem_shared>>
      tpu.wait_indirect_dma semaphore(%arg11 : memref<!tpu.dma_semaphore, #tpu.memory_space<semaphore_mem>>) src(%dma_wait3A_605 : memref<1000x128xf32, #tpu.memory_space<vmem_shared>>) dst(%dma_wait3A_599 : memref<128x128xf32, #tpu.memory_space<vmem>>)
      %sub3A_606 = arith.constant 1 : i32
      %sub3A_607 = arith.subi %add3A_552, %sub3A_606 : i32
      %mul3A_608 = arith.constant 128 : i32
      %mul3A_609 = arith.muli %sub3A_607, %mul3A_608 : i32
      %add3A_610 = arith.addi %mul3A_2, %mul3A_609 : i32
      %dma_start3A_611 = arith.constant 2 : i32
      %dma_start3A_612 = arith.constant 0 : i32
      %dma_start3A_613 = arith.constant 0 : i32
      %dma_start3A_614 = tpu.memref_slice %arg6[%dma_start3A_611, %dma_start3A_612, %dma_start3A_613] : memref<5x128x128xf32, #tpu.memory_space<vmem>> -> memref<1x128x128xf32, #tpu.memory_space<vmem>>
      %dma_start3A_615 = tpu.memref_squeeze %dma_start3A_614 : memref<1x128x128xf32, #tpu.memory_space<vmem>> -> memref<128x128xf32, #tpu.memory_space<vmem>>
      %dma_start3A_616 = arith.constant 0 : i32
      %dma_start3A_617 = tpu.memref_slice %arg4[%add3A_610, %dma_start3A_616] : memref<819200x128xf32, #tpu.memory_space<hbm>> -> memref<128x128xf32, #tpu.memory_space<hbm>>
      %dma_start3A_618 = arith.constant 0 : i32
      %dma_start3A_619 = tpu.memref_slice %arg4[%add3A_610, %dma_start3A_618] : memref<819200x128xf32, #tpu.memory_space<hbm>> -> memref<128x128xf32, #tpu.memory_space<hbm>>
      %dma_start3A_620 = arith.constant 0 : i32
      %dma_start3A_621 = arith.constant 0 : i32
      %dma_start3A_622 = tpu.memref_slice %arg6[%dma_start3A_611, %dma_start3A_620, %dma_start3A_621] : memref<5x128x128xf32, #tpu.memory_space<vmem>> -> memref<1x128x128xf32, #tpu.memory_space<vmem>>
      %dma_start3A_623 = tpu.memref_squeeze %dma_start3A_622 : memref<1x128x128xf32, #tpu.memory_space<vmem>> -> memref<128x128xf32, #tpu.memory_space<vmem>>
      tpu.enqueue_dma source(%dma_start3A_623 : memref<128x128xf32, #tpu.memory_space<vmem>>) target(%dma_start3A_619 : memref<128x128xf32, #tpu.memory_space<hbm>>) target_semaphore(%arg16 : memref<!tpu.dma_semaphore, #tpu.memory_space<semaphore_mem>>)
      %mul3A_624 = arith.constant 5 : i32
      %mul3A_625 = arith.muli %mul3A_624, %scan3A_324 : i32
      %add3A_626 = arith.constant 4 : i32
      %add3A_627 = arith.addi %mul3A_625, %add3A_626 : i32
      %sub3A_628 = arith.constant 5 : i32
      %sub3A_629 = arith.subi %add3A_627, %sub3A_628 : i32
      %mul3A_630 = arith.constant 128 : i32
      %mul3A_631 = arith.muli %sub3A_629, %mul3A_630 : i32
      %add3A_632 = arith.addi %mul3A_2, %mul3A_631 : i32
      %dma_wait3A_633 = arith.constant 4 : i32
      %dma_wait3A_634 = arith.constant 0 : i32
      %dma_wait3A_635 = arith.constant 0 : i32
      %dma_wait3A_636 = tpu.memref_slice %arg6[%dma_wait3A_633, %dma_wait3A_634, %dma_wait3A_635] : memref<5x128x128xf32, #tpu.memory_space<vmem>> -> memref<1x128x128xf32, #tpu.memory_space<vmem>>
      %dma_wait3A_637 = tpu.memref_squeeze %dma_wait3A_636 : memref<1x128x128xf32, #tpu.memory_space<vmem>> -> memref<128x128xf32, #tpu.memory_space<vmem>>
      %dma_wait3A_638 = arith.constant 0 : i32
      %dma_wait3A_639 = tpu.memref_slice %arg4[%add3A_632, %dma_wait3A_638] : memref<819200x128xf32, #tpu.memory_space<hbm>> -> memref<128x128xf32, #tpu.memory_space<hbm>>
      %dma_wait3A_640 = arith.constant 0 : i32
      %dma_wait3A_641 = tpu.memref_slice %arg4[%add3A_632, %dma_wait3A_640] : memref<819200x128xf32, #tpu.memory_space<hbm>> -> memref<128x128xf32, #tpu.memory_space<hbm>>
      %dma_wait3A_642 = arith.constant 0 : i32
      %dma_wait3A_643 = arith.constant 0 : i32
      %dma_wait3A_644 = tpu.memref_slice %arg6[%dma_wait3A_633, %dma_wait3A_642, %dma_wait3A_643] : memref<5x128x128xf32, #tpu.memory_space<vmem>> -> memref<1x128x128xf32, #tpu.memory_space<vmem>>
      %dma_wait3A_645 = tpu.memref_squeeze %dma_wait3A_644 : memref<1x128x128xf32, #tpu.memory_space<vmem>> -> memref<128x128xf32, #tpu.memory_space<vmem>>
      tpu.wait_dma2 semaphore(%arg18 : memref<!tpu.dma_semaphore, #tpu.memory_space<semaphore_mem>>) src(%dma_wait3A_645 : memref<128x128xf32, #tpu.memory_space<vmem>>) dst(%dma_wait3A_641 : memref<128x128xf32, #tpu.memory_space<hbm>>)
      %mul3A_646 = arith.constant 1 : i32
      %mul3A_647 = arith.muli %add3A_627, %mul3A_646 : i32
      %run_scoped3A_648 = arith.constant 4 : i32
      "tpu.region"() ({
        %run_scoped3A_699 = tpu.sem_alloc : memref<!tpu.dma_semaphore, #tpu.memory_space<semaphore_mem>>
        %dma_start3A_700 = arith.constant 0 : i32
        %dma_start3A_701 = arith.constant 0 : i32
        %dma_start3A_702 = tpu.memref_slice %arg5[%run_scoped3A_648, %dma_start3A_700, %dma_start3A_701] : memref<5x1x128xi32, #tpu.memory_space<vmem>> -> memref<1x1x128xi32, #tpu.memory_space<vmem>>
        %dma_start3A_703 = tpu.memref_squeeze %dma_start3A_702 : memref<1x1x128xi32, #tpu.memory_space<vmem>> -> memref<1x128xi32, #tpu.memory_space<vmem>>
        %dma_start3A_704 = arith.constant 0 : i32
        %dma_start3A_705 = arith.constant 0 : i32
        %dma_start3A_706 = tpu.memref_slice %arg8[%arg1, %dma_start3A_704, %dma_start3A_705] : memref<16x200x128xi32, #tpu.memory_space<vmem_shared>> -> memref<1x200x128xi32, #tpu.memory_space<vmem_shared>>
        %dma_start3A_707 = tpu.memref_squeeze %dma_start3A_706 : memref<1x200x128xi32, #tpu.memory_space<vmem_shared>> -> memref<200x128xi32, #tpu.memory_space<vmem_shared>>
        %dma_start3A_708 = arith.constant 0 : i32
        %dma_start3A_709 = tpu.memref_slice %dma_start3A_707[%mul3A_647, %dma_start3A_708] : memref<200x128xi32, #tpu.memory_space<vmem_shared>> -> memref<1x128xi32, #tpu.memory_space<vmem_shared>>
        %dma_start3A_710 = arith.constant 0 : i32
        %dma_start3A_711 = arith.constant 0 : i32
        %dma_start3A_712 = tpu.memref_slice %arg5[%run_scoped3A_648, %dma_start3A_710, %dma_start3A_711] : memref<5x1x128xi32, #tpu.memory_space<vmem>> -> memref<1x1x128xi32, #tpu.memory_space<vmem>>
        %dma_start3A_713 = tpu.memref_squeeze %dma_start3A_712 : memref<1x1x128xi32, #tpu.memory_space<vmem>> -> memref<1x128xi32, #tpu.memory_space<vmem>>
        %dma_start3A_714 = arith.constant 0 : i32
        %dma_start3A_715 = arith.constant 0 : i32
        %dma_start3A_716 = tpu.memref_slice %arg8[%arg1, %dma_start3A_714, %dma_start3A_715] : memref<16x200x128xi32, #tpu.memory_space<vmem_shared>> -> memref<1x200x128xi32, #tpu.memory_space<vmem_shared>>
        %dma_start3A_717 = tpu.memref_squeeze %dma_start3A_716 : memref<1x200x128xi32, #tpu.memory_space<vmem_shared>> -> memref<200x128xi32, #tpu.memory_space<vmem_shared>>
        %dma_start3A_718 = arith.constant 0 : i32
        %dma_start3A_719 = tpu.memref_slice %dma_start3A_717[%mul3A_647, %dma_start3A_718] : memref<200x128xi32, #tpu.memory_space<vmem_shared>> -> memref<1x128xi32, #tpu.memory_space<vmem_shared>>
        tpu.enqueue_dma source(%dma_start3A_719 : memref<1x128xi32, #tpu.memory_space<vmem_shared>>) target(%dma_start3A_713 : memref<1x128xi32, #tpu.memory_space<vmem>>) target_semaphore(%run_scoped3A_699 : memref<!tpu.dma_semaphore, #tpu.memory_space<semaphore_mem>>)
        %dma_wait3A_720 = arith.constant 0 : i32
        %dma_wait3A_721 = arith.constant 0 : i32
        %dma_wait3A_722 = tpu.memref_slice %arg5[%run_scoped3A_648, %dma_wait3A_720, %dma_wait3A_721] : memref<5x1x128xi32, #tpu.memory_space<vmem>> -> memref<1x1x128xi32, #tpu.memory_space<vmem>>
        %dma_wait3A_723 = tpu.memref_squeeze %dma_wait3A_722 : memref<1x1x128xi32, #tpu.memory_space<vmem>> -> memref<1x128xi32, #tpu.memory_space<vmem>>
        %dma_wait3A_724 = arith.constant 0 : i32
        %dma_wait3A_725 = arith.constant 0 : i32
        %dma_wait3A_726 = tpu.memref_slice %arg8[%arg1, %dma_wait3A_724, %dma_wait3A_725] : memref<16x200x128xi32, #tpu.memory_space<vmem_shared>> -> memref<1x200x128xi32, #tpu.memory_space<vmem_shared>>
        %dma_wait3A_727 = tpu.memref_squeeze %dma_wait3A_726 : memref<1x200x128xi32, #tpu.memory_space<vmem_shared>> -> memref<200x128xi32, #tpu.memory_space<vmem_shared>>
        %dma_wait3A_728 = arith.constant 0 : i32
        %dma_wait3A_729 = tpu.memref_slice %dma_wait3A_727[%mul3A_647, %dma_wait3A_728] : memref<200x128xi32, #tpu.memory_space<vmem_shared>> -> memref<1x128xi32, #tpu.memory_space<vmem_shared>>
        %dma_wait3A_730 = arith.constant 0 : i32
        %dma_wait3A_731 = arith.constant 0 : i32
        %dma_wait3A_732 = tpu.memref_slice %arg5[%run_scoped3A_648, %dma_wait3A_730, %dma_wait3A_731] : memref<5x1x128xi32, #tpu.memory_space<vmem>> -> memref<1x1x128xi32, #tpu.memory_space<vmem>>
        %dma_wait3A_733 = tpu.memref_squeeze %dma_wait3A_732 : memref<1x1x128xi32, #tpu.memory_space<vmem>> -> memref<1x128xi32, #tpu.memory_space<vmem>>
        %dma_wait3A_734 = arith.constant 0 : i32
        %dma_wait3A_735 = arith.constant 0 : i32
        %dma_wait3A_736 = tpu.memref_slice %arg8[%arg1, %dma_wait3A_734, %dma_wait3A_735] : memref<16x200x128xi32, #tpu.memory_space<vmem_shared>> -> memref<1x200x128xi32, #tpu.memory_space<vmem_shared>>
        %dma_wait3A_737 = tpu.memref_squeeze %dma_wait3A_736 : memref<1x200x128xi32, #tpu.memory_space<vmem_shared>> -> memref<200x128xi32, #tpu.memory_space<vmem_shared>>
        %dma_wait3A_738 = arith.constant 0 : i32
        %dma_wait3A_739 = tpu.memref_slice %dma_wait3A_737[%mul3A_647, %dma_wait3A_738] : memref<200x128xi32, #tpu.memory_space<vmem_shared>> -> memref<1x128xi32, #tpu.memory_space<vmem_shared>>
        tpu.wait_dma2 semaphore(%run_scoped3A_699 : memref<!tpu.dma_semaphore, #tpu.memory_space<semaphore_mem>>) src(%dma_wait3A_739 : memref<1x128xi32, #tpu.memory_space<vmem_shared>>) dst(%dma_wait3A_733 : memref<1x128xi32, #tpu.memory_space<vmem>>)
        tpu.yield
      }) : () -> ()
      %dma_start3A_649 = arith.constant 4 : i32
      %dma_start3A_650 = arith.constant 0 : i32
      %dma_start3A_651 = arith.constant 4 : i32
      %dma_start3A_652 = arith.constant 0 : i32
      %dma_start3A_653 = arith.constant 0 : i32
      %dma_start3A_654 = tpu.memref_slice %arg6[%dma_start3A_651, %dma_start3A_652, %dma_start3A_653] : memref<5x128x128xf32, #tpu.memory_space<vmem>> -> memref<1x128x128xf32, #tpu.memory_space<vmem>>
      %dma_start3A_655 = tpu.memref_squeeze %dma_start3A_654 : memref<1x128x128xf32, #tpu.memory_space<vmem>> -> memref<128x128xf32, #tpu.memory_space<vmem>>
      %dma_start3A_656 = arith.constant 0 : i32
      %dma_start3A_657 = arith.constant 0 : i32
      %dma_start3A_658 = tpu.memref_slice %dma_start3A_655[%dma_start3A_656, %dma_start3A_657] : memref<128x128xf32, #tpu.memory_space<vmem>> -> memref<128x128xf32, #tpu.memory_space<vmem>>
      %dma_start3A_659 = arith.constant 0 : i32
      %dma_start3A_660 = tpu.memref_slice %arg5[%dma_start3A_649, %dma_start3A_650, %dma_start3A_659] : memref<5x1x128xi32, #tpu.memory_space<vmem>> -> memref<1x1x128xi32, #tpu.memory_space<vmem>>
      %dma_start3A_661 = tpu.memref_squeeze %dma_start3A_660 : memref<1x1x128xi32, #tpu.memory_space<vmem>> -> memref<128xi32, #tpu.memory_space<vmem>>
      %dma_start3A_662 = arith.constant 0 : i32
      %dma_start3A_663 = arith.constant 0 : i32
      %dma_start3A_664 = tpu.memref_slice %arg7[%dma_start3A_662, %dma_start3A_663] : memref<1000x128xf32, #tpu.memory_space<vmem_shared>> -> memref<1000x128xf32, #tpu.memory_space<vmem_shared>>
      tpu.enqueue_indirect_dma source(%dma_start3A_664 : memref<1000x128xf32, #tpu.memory_space<vmem_shared>>) target(%dma_start3A_658 : memref<128x128xf32, #tpu.memory_space<vmem>>) offsets(%dma_start3A_661 : memref<128xi32, #tpu.memory_space<vmem>>) semaphore(%arg13 : memref<!tpu.dma_semaphore, #tpu.memory_space<semaphore_mem>>)
      %dma_wait3A_665 = arith.constant 3 : i32
      %dma_wait3A_666 = arith.constant 0 : i32
      %dma_wait3A_667 = arith.constant 3 : i32
      %dma_wait3A_668 = arith.constant 0 : i32
      %dma_wait3A_669 = arith.constant 0 : i32
      %dma_wait3A_670 = tpu.memref_slice %arg6[%dma_wait3A_667, %dma_wait3A_668, %dma_wait3A_669] : memref<5x128x128xf32, #tpu.memory_space<vmem>> -> memref<1x128x128xf32, #tpu.memory_space<vmem>>
      %dma_wait3A_671 = tpu.memref_squeeze %dma_wait3A_670 : memref<1x128x128xf32, #tpu.memory_space<vmem>> -> memref<128x128xf32, #tpu.memory_space<vmem>>
      %dma_wait3A_672 = arith.constant 0 : i32
      %dma_wait3A_673 = arith.constant 0 : i32
      %dma_wait3A_674 = tpu.memref_slice %dma_wait3A_671[%dma_wait3A_672, %dma_wait3A_673] : memref<128x128xf32, #tpu.memory_space<vmem>> -> memref<128x128xf32, #tpu.memory_space<vmem>>
      %dma_wait3A_675 = arith.constant 0 : i32
      %dma_wait3A_676 = tpu.memref_slice %arg5[%dma_wait3A_665, %dma_wait3A_666, %dma_wait3A_675] : memref<5x1x128xi32, #tpu.memory_space<vmem>> -> memref<1x1x128xi32, #tpu.memory_space<vmem>>
      %dma_wait3A_677 = tpu.memref_squeeze %dma_wait3A_676 : memref<1x1x128xi32, #tpu.memory_space<vmem>> -> memref<128xi32, #tpu.memory_space<vmem>>
      %dma_wait3A_678 = arith.constant 0 : i32
      %dma_wait3A_679 = arith.constant 0 : i32
      %dma_wait3A_680 = tpu.memref_slice %arg7[%dma_wait3A_678, %dma_wait3A_679] : memref<1000x128xf32, #tpu.memory_space<vmem_shared>> -> memref<1000x128xf32, #tpu.memory_space<vmem_shared>>
      tpu.wait_indirect_dma semaphore(%arg12 : memref<!tpu.dma_semaphore, #tpu.memory_space<semaphore_mem>>) src(%dma_wait3A_680 : memref<1000x128xf32, #tpu.memory_space<vmem_shared>>) dst(%dma_wait3A_674 : memref<128x128xf32, #tpu.memory_space<vmem>>)
      %sub3A_681 = arith.constant 1 : i32
      %sub3A_682 = arith.subi %add3A_627, %sub3A_681 : i32
      %mul3A_683 = arith.constant 128 : i32
      %mul3A_684 = arith.muli %sub3A_682, %mul3A_683 : i32
      %add3A_685 = arith.addi %mul3A_2, %mul3A_684 : i32
      %dma_start3A_686 = arith.constant 3 : i32
      %dma_start3A_687 = arith.constant 0 : i32
      %dma_start3A_688 = arith.constant 0 : i32
      %dma_start3A_689 = tpu.memref_slice %arg6[%dma_start3A_686, %dma_start3A_687, %dma_start3A_688] : memref<5x128x128xf32, #tpu.memory_space<vmem>> -> memref<1x128x128xf32, #tpu.memory_space<vmem>>
      %dma_start3A_690 = tpu.memref_squeeze %dma_start3A_689 : memref<1x128x128xf32, #tpu.memory_space<vmem>> -> memref<128x128xf32, #tpu.memory_space<vmem>>
      %dma_start3A_691 = arith.constant 0 : i32
      %dma_start3A_692 = tpu.memref_slice %arg4[%add3A_685, %dma_start3A_691] : memref<819200x128xf32, #tpu.memory_space<hbm>> -> memref<128x128xf32, #tpu.memory_space<hbm>>
      %dma_start3A_693 = arith.constant 0 : i32
      %dma_start3A_694 = tpu.memref_slice %arg4[%add3A_685, %dma_start3A_693] : memref<819200x128xf32, #tpu.memory_space<hbm>> -> memref<128x128xf32, #tpu.memory_space<hbm>>
      %dma_start3A_695 = arith.constant 0 : i32
      %dma_start3A_696 = arith.constant 0 : i32
      %dma_start3A_697 = tpu.memref_slice %arg6[%dma_start3A_686, %dma_start3A_695, %dma_start3A_696] : memref<5x128x128xf32, #tpu.memory_space<vmem>> -> memref<1x128x128xf32, #tpu.memory_space<vmem>>
      %dma_start3A_698 = tpu.memref_squeeze %dma_start3A_697 : memref<1x128x128xf32, #tpu.memory_space<vmem>> -> memref<128x128xf32, #tpu.memory_space<vmem>>
      tpu.enqueue_dma source(%dma_start3A_698 : memref<128x128xf32, #tpu.memory_space<vmem>>) target(%dma_start3A_694 : memref<128x128xf32, #tpu.memory_space<hbm>>) target_semaphore(%arg17 : memref<!tpu.dma_semaphore, #tpu.memory_space<semaphore_mem>>)
    }
    %scan3A_217 = arith.constant 39 : i32
    %dma_wait3A_218 = arith.constant 4 : i32
    %dma_wait3A_219 = arith.constant 0 : i32
    %dma_wait3A_220 = arith.constant 4 : i32
    %dma_wait3A_221 = arith.constant 0 : i32
    %dma_wait3A_222 = arith.constant 0 : i32
    %dma_wait3A_223 = tpu.memref_slice %arg6[%dma_wait3A_220, %dma_wait3A_221, %dma_wait3A_222] : memref<5x128x128xf32, #tpu.memory_space<vmem>> -> memref<1x128x128xf32, #tpu.memory_space<vmem>>
    %dma_wait3A_224 = tpu.memref_squeeze %dma_wait3A_223 : memref<1x128x128xf32, #tpu.memory_space<vmem>> -> memref<128x128xf32, #tpu.memory_space<vmem>>
    %dma_wait3A_225 = arith.constant 0 : i32
    %dma_wait3A_226 = arith.constant 0 : i32
    %dma_wait3A_227 = tpu.memref_slice %dma_wait3A_224[%dma_wait3A_225, %dma_wait3A_226] : memref<128x128xf32, #tpu.memory_space<vmem>> -> memref<128x128xf32, #tpu.memory_space<vmem>>
    %dma_wait3A_228 = arith.constant 0 : i32
    %dma_wait3A_229 = tpu.memref_slice %arg5[%dma_wait3A_218, %dma_wait3A_219, %dma_wait3A_228] : memref<5x1x128xi32, #tpu.memory_space<vmem>> -> memref<1x1x128xi32, #tpu.memory_space<vmem>>
    %dma_wait3A_230 = tpu.memref_squeeze %dma_wait3A_229 : memref<1x1x128xi32, #tpu.memory_space<vmem>> -> memref<128xi32, #tpu.memory_space<vmem>>
    %dma_wait3A_231 = arith.constant 0 : i32
    %dma_wait3A_232 = arith.constant 0 : i32
    %dma_wait3A_233 = tpu.memref_slice %arg7[%dma_wait3A_231, %dma_wait3A_232] : memref<1000x128xf32, #tpu.memory_space<vmem_shared>> -> memref<1000x128xf32, #tpu.memory_space<vmem_shared>>
    tpu.wait_indirect_dma semaphore(%arg13 : memref<!tpu.dma_semaphore, #tpu.memory_space<semaphore_mem>>) src(%dma_wait3A_233 : memref<1000x128xf32, #tpu.memory_space<vmem_shared>>) dst(%dma_wait3A_227 : memref<128x128xf32, #tpu.memory_space<vmem>>)
    %add3A_234 = arith.constant 25472 : i32
    %add3A_235 = arith.addi %mul3A_2, %add3A_234 : i32
    %dma_start3A_236 = arith.constant 4 : i32
    %dma_start3A_237 = arith.constant 0 : i32
    %dma_start3A_238 = arith.constant 0 : i32
    %dma_start3A_239 = tpu.memref_slice %arg6[%dma_start3A_236, %dma_start3A_237, %dma_start3A_238] : memref<5x128x128xf32, #tpu.memory_space<vmem>> -> memref<1x128x128xf32, #tpu.memory_space<vmem>>
    %dma_start3A_240 = tpu.memref_squeeze %dma_start3A_239 : memref<1x128x128xf32, #tpu.memory_space<vmem>> -> memref<128x128xf32, #tpu.memory_space<vmem>>
    %dma_start3A_241 = arith.constant 0 : i32
    %dma_start3A_242 = tpu.memref_slice %arg4[%add3A_235, %dma_start3A_241] : memref<819200x128xf32, #tpu.memory_space<hbm>> -> memref<128x128xf32, #tpu.memory_space<hbm>>
    %dma_start3A_243 = arith.constant 0 : i32
    %dma_start3A_244 = tpu.memref_slice %arg4[%add3A_235, %dma_start3A_243] : memref<819200x128xf32, #tpu.memory_space<hbm>> -> memref<128x128xf32, #tpu.memory_space<hbm>>
    %dma_start3A_245 = arith.constant 0 : i32
    %dma_start3A_246 = arith.constant 0 : i32
    %dma_start3A_247 = tpu.memref_slice %arg6[%dma_start3A_236, %dma_start3A_245, %dma_start3A_246] : memref<5x128x128xf32, #tpu.memory_space<vmem>> -> memref<1x128x128xf32, #tpu.memory_space<vmem>>
    %dma_start3A_248 = tpu.memref_squeeze %dma_start3A_247 : memref<1x128x128xf32, #tpu.memory_space<vmem>> -> memref<128x128xf32, #tpu.memory_space<vmem>>
    tpu.enqueue_dma source(%dma_start3A_248 : memref<128x128xf32, #tpu.memory_space<vmem>>) target(%dma_start3A_244 : memref<128x128xf32, #tpu.memory_space<hbm>>) target_semaphore(%arg18 : memref<!tpu.dma_semaphore, #tpu.memory_space<semaphore_mem>>)
    %add3A_249 = arith.constant 25472 : i32
    %add3A_250 = arith.addi %mul3A_2, %add3A_249 : i32
    %dma_wait3A_251 = arith.constant 4 : i32
    %dma_wait3A_252 = arith.constant 0 : i32
    %dma_wait3A_253 = arith.constant 0 : i32
    %dma_wait3A_254 = tpu.memref_slice %arg6[%dma_wait3A_251, %dma_wait3A_252, %dma_wait3A_253] : memref<5x128x128xf32, #tpu.memory_space<vmem>> -> memref<1x128x128xf32, #tpu.memory_space<vmem>>
    %dma_wait3A_255 = tpu.memref_squeeze %dma_wait3A_254 : memref<1x128x128xf32, #tpu.memory_space<vmem>> -> memref<128x128xf32, #tpu.memory_space<vmem>>
    %dma_wait3A_256 = arith.constant 0 : i32
    %dma_wait3A_257 = tpu.memref_slice %arg4[%add3A_250, %dma_wait3A_256] : memref<819200x128xf32, #tpu.memory_space<hbm>> -> memref<128x128xf32, #tpu.memory_space<hbm>>
    %dma_wait3A_258 = arith.constant 0 : i32
    %dma_wait3A_259 = tpu.memref_slice %arg4[%add3A_250, %dma_wait3A_258] : memref<819200x128xf32, #tpu.memory_space<hbm>> -> memref<128x128xf32, #tpu.memory_space<hbm>>
    %dma_wait3A_260 = arith.constant 0 : i32
    %dma_wait3A_261 = arith.constant 0 : i32
    %dma_wait3A_262 = tpu.memref_slice %arg6[%dma_wait3A_251, %dma_wait3A_260, %dma_wait3A_261] : memref<5x128x128xf32, #tpu.memory_space<vmem>> -> memref<1x128x128xf32, #tpu.memory_space<vmem>>
    %dma_wait3A_263 = tpu.memref_squeeze %dma_wait3A_262 : memref<1x128x128xf32, #tpu.memory_space<vmem>> -> memref<128x128xf32, #tpu.memory_space<vmem>>
    tpu.wait_dma2 semaphore(%arg18 : memref<!tpu.dma_semaphore, #tpu.memory_space<semaphore_mem>>) src(%dma_wait3A_263 : memref<128x128xf32, #tpu.memory_space<vmem>>) dst(%dma_wait3A_259 : memref<128x128xf32, #tpu.memory_space<hbm>>)
    %add3A_264 = arith.constant 25344 : i32
    %add3A_265 = arith.addi %mul3A_2, %add3A_264 : i32
    %dma_wait3A_266 = arith.constant 3 : i32
    %dma_wait3A_267 = arith.constant 0 : i32
    %dma_wait3A_268 = arith.constant 0 : i32
    %dma_wait3A_269 = tpu.memref_slice %arg6[%dma_wait3A_266, %dma_wait3A_267, %dma_wait3A_268] : memref<5x128x128xf32, #tpu.memory_space<vmem>> -> memref<1x128x128xf32, #tpu.memory_space<vmem>>
    %dma_wait3A_270 = tpu.memref_squeeze %dma_wait3A_269 : memref<1x128x128xf32, #tpu.memory_space<vmem>> -> memref<128x128xf32, #tpu.memory_space<vmem>>
    %dma_wait3A_271 = arith.constant 0 : i32
    %dma_wait3A_272 = tpu.memref_slice %arg4[%add3A_265, %dma_wait3A_271] : memref<819200x128xf32, #tpu.memory_space<hbm>> -> memref<128x128xf32, #tpu.memory_space<hbm>>
    %dma_wait3A_273 = arith.constant 0 : i32
    %dma_wait3A_274 = tpu.memref_slice %arg4[%add3A_265, %dma_wait3A_273] : memref<819200x128xf32, #tpu.memory_space<hbm>> -> memref<128x128xf32, #tpu.memory_space<hbm>>
    %dma_wait3A_275 = arith.constant 0 : i32
    %dma_wait3A_276 = arith.constant 0 : i32
    %dma_wait3A_277 = tpu.memref_slice %arg6[%dma_wait3A_266, %dma_wait3A_275, %dma_wait3A_276] : memref<5x128x128xf32, #tpu.memory_space<vmem>> -> memref<1x128x128xf32, #tpu.memory_space<vmem>>
    %dma_wait3A_278 = tpu.memref_squeeze %dma_wait3A_277 : memref<1x128x128xf32, #tpu.memory_space<vmem>> -> memref<128x128xf32, #tpu.memory_space<vmem>>
    tpu.wait_dma2 semaphore(%arg17 : memref<!tpu.dma_semaphore, #tpu.memory_space<semaphore_mem>>) src(%dma_wait3A_278 : memref<128x128xf32, #tpu.memory_space<vmem>>) dst(%dma_wait3A_274 : memref<128x128xf32, #tpu.memory_space<hbm>>)
    %add3A_279 = arith.constant 25216 : i32
    %add3A_280 = arith.addi %mul3A_2, %add3A_279 : i32
    %dma_wait3A_281 = arith.constant 2 : i32
    %dma_wait3A_282 = arith.constant 0 : i32
    %dma_wait3A_283 = arith.constant 0 : i32
    %dma_wait3A_284 = tpu.memref_slice %arg6[%dma_wait3A_281, %dma_wait3A_282, %dma_wait3A_283] : memref<5x128x128xf32, #tpu.memory_space<vmem>> -> memref<1x128x128xf32, #tpu.memory_space<vmem>>
    %dma_wait3A_285 = tpu.memref_squeeze %dma_wait3A_284 : memref<1x128x128xf32, #tpu.memory_space<vmem>> -> memref<128x128xf32, #tpu.memory_space<vmem>>
    %dma_wait3A_286 = arith.constant 0 : i32
    %dma_wait3A_287 = tpu.memref_slice %arg4[%add3A_280, %dma_wait3A_286] : memref<819200x128xf32, #tpu.memory_space<hbm>> -> memref<128x128xf32, #tpu.memory_space<hbm>>
    %dma_wait3A_288 = arith.constant 0 : i32
    %dma_wait3A_289 = tpu.memref_slice %arg4[%add3A_280, %dma_wait3A_288] : memref<819200x128xf32, #tpu.memory_space<hbm>> -> memref<128x128xf32, #tpu.memory_space<hbm>>
    %dma_wait3A_290 = arith.constant 0 : i32
    %dma_wait3A_291 = arith.constant 0 : i32
    %dma_wait3A_292 = tpu.memref_slice %arg6[%dma_wait3A_281, %dma_wait3A_290, %dma_wait3A_291] : memref<5x128x128xf32, #tpu.memory_space<vmem>> -> memref<1x128x128xf32, #tpu.memory_space<vmem>>
    %dma_wait3A_293 = tpu.memref_squeeze %dma_wait3A_292 : memref<1x128x128xf32, #tpu.memory_space<vmem>> -> memref<128x128xf32, #tpu.memory_space<vmem>>
    tpu.wait_dma2 semaphore(%arg16 : memref<!tpu.dma_semaphore, #tpu.memory_space<semaphore_mem>>) src(%dma_wait3A_293 : memref<128x128xf32, #tpu.memory_space<vmem>>) dst(%dma_wait3A_289 : memref<128x128xf32, #tpu.memory_space<hbm>>)
    %add3A_294 = arith.constant 25088 : i32
    %add3A_295 = arith.addi %mul3A_2, %add3A_294 : i32
    %dma_wait3A_296 = arith.constant 1 : i32
    %dma_wait3A_297 = arith.constant 0 : i32
    %dma_wait3A_298 = arith.constant 0 : i32
    %dma_wait3A_299 = tpu.memref_slice %arg6[%dma_wait3A_296, %dma_wait3A_297, %dma_wait3A_298] : memref<5x128x128xf32, #tpu.memory_space<vmem>> -> memref<1x128x128xf32, #tpu.memory_space<vmem>>
    %dma_wait3A_300 = tpu.memref_squeeze %dma_wait3A_299 : memref<1x128x128xf32, #tpu.memory_space<vmem>> -> memref<128x128xf32, #tpu.memory_space<vmem>>
    %dma_wait3A_301 = arith.constant 0 : i32
    %dma_wait3A_302 = tpu.memref_slice %arg4[%add3A_295, %dma_wait3A_301] : memref<819200x128xf32, #tpu.memory_space<hbm>> -> memref<128x128xf32, #tpu.memory_space<hbm>>
    %dma_wait3A_303 = arith.constant 0 : i32
    %dma_wait3A_304 = tpu.memref_slice %arg4[%add3A_295, %dma_wait3A_303] : memref<819200x128xf32, #tpu.memory_space<hbm>> -> memref<128x128xf32, #tpu.memory_space<hbm>>
    %dma_wait3A_305 = arith.constant 0 : i32
    %dma_wait3A_306 = arith.constant 0 : i32
    %dma_wait3A_307 = tpu.memref_slice %arg6[%dma_wait3A_296, %dma_wait3A_305, %dma_wait3A_306] : memref<5x128x128xf32, #tpu.memory_space<vmem>> -> memref<1x128x128xf32, #tpu.memory_space<vmem>>
    %dma_wait3A_308 = tpu.memref_squeeze %dma_wait3A_307 : memref<1x128x128xf32, #tpu.memory_space<vmem>> -> memref<128x128xf32, #tpu.memory_space<vmem>>
    tpu.wait_dma2 semaphore(%arg15 : memref<!tpu.dma_semaphore, #tpu.memory_space<semaphore_mem>>) src(%dma_wait3A_308 : memref<128x128xf32, #tpu.memory_space<vmem>>) dst(%dma_wait3A_304 : memref<128x128xf32, #tpu.memory_space<hbm>>)
    %add3A_309 = arith.constant 24960 : i32
    %add3A_310 = arith.addi %mul3A_2, %add3A_309 : i32
    %dma_wait3A_311 = arith.constant 0 : i32
    %dma_wait3A_312 = arith.constant 0 : i32
    %dma_wait3A_313 = arith.constant 0 : i32
    %dma_wait3A_314 = tpu.memref_slice %arg6[%dma_wait3A_311, %dma_wait3A_312, %dma_wait3A_313] : memref<5x128x128xf32, #tpu.memory_space<vmem>> -> memref<1x128x128xf32, #tpu.memory_space<vmem>>
    %dma_wait3A_315 = tpu.memref_squeeze %dma_wait3A_314 : memref<1x128x128xf32, #tpu.memory_space<vmem>> -> memref<128x128xf32, #tpu.memory_space<vmem>>
    %dma_wait3A_316 = arith.constant 0 : i32
    %dma_wait3A_317 = tpu.memref_slice %arg4[%add3A_310, %dma_wait3A_316] : memref<819200x128xf32, #tpu.memory_space<hbm>> -> memref<128x128xf32, #tpu.memory_space<hbm>>
    %dma_wait3A_318 = arith.constant 0 : i32
    %dma_wait3A_319 = tpu.memref_slice %arg4[%add3A_310, %dma_wait3A_318] : memref<819200x128xf32, #tpu.memory_space<hbm>> -> memref<128x128xf32, #tpu.memory_space<hbm>>
    %dma_wait3A_320 = arith.constant 0 : i32
    %dma_wait3A_321 = arith.constant 0 : i32
    %dma_wait3A_322 = tpu.memref_slice %arg6[%dma_wait3A_311, %dma_wait3A_320, %dma_wait3A_321] : memref<5x128x128xf32, #tpu.memory_space<vmem>> -> memref<1x128x128xf32, #tpu.memory_space<vmem>>
    %dma_wait3A_323 = tpu.memref_squeeze %dma_wait3A_322 : memref<1x128x128xf32, #tpu.memory_space<vmem>> -> memref<128x128xf32, #tpu.memory_space<vmem>>
    tpu.wait_dma2 semaphore(%arg14 : memref<!tpu.dma_semaphore, #tpu.memory_space<semaphore_mem>>) src(%dma_wait3A_323 : memref<128x128xf32, #tpu.memory_space<vmem>>) dst(%dma_wait3A_319 : memref<128x128xf32, #tpu.memory_space<hbm>>)
    return
  }
}

</mosaic_0001>

<sc_bundles>
// kernel: kernel.3.cloned.1.call-start
scs
__scs_entry_jumppad:
0x0: {  	(pc) =	sbr.rel $0x88, $3  }
0x1: {  	(tag) =	ssettag $0x0;
	lr =	simm.s32 $0x1  }
0x2: {  	[smem:$0x3F9F] =	sst lr;
	_ =	strace $0xD0000000  }
0x3: {  	_ = 	snop  }
0x4: {  	_ = 	snop  }
0x5: {  	_ = 	snop  }
0x6: {  	_ = 	snop  }
0x7: {  	_ = 	snop  }
__scs_overlays_trampoline_lowered:
0x8: {  	[smem:$0x3FAE] =	sst s0  }
0x9: {  	[smem:$0x3FAF] =	sst s1  }
0xa: {  	[smem:$0x3FB0] =	sst s2  }
0xb: {  	[smem:$0x3FB1] =	sst s3  }
0xc: {  	[smem:$0x3FB2] =	sst s4  }
0xd: {  	[smem:$0x3FB3] =	sst s5  }
0xe: {  	[smem:$0x3FB4] =	sst s6  }
0xf: {  	[smem:$0x3FB5] =	sst s7  }
0x10: {  	[smem:$0x3FB6] =	sst s8  }
0x11: {  	[smem:$0x3FB7] =	sst s9;
	s0 =	simm.s32 @!p0 $0x0  }
0x12: {  	s1 =	sld [smem:$0x3F9D];
	s0 =	simm.s32 @p0 $0x1  }
0x13: {  	[smem:$0x3FB8] =	sst s0;
	s0 =	simm.s32 @!p1 $0x0  }
0x14: {  	s2 =	sld [smem:$0x3F9C];
	s0 =	simm.s32 @p1 $0x1  }
0x15: {  	[smem:$0x3FB9] =	sst s0;
	s0 =	simm.s32 @!p2 $0x0  }
0x16: {  	s3 =	sld [smem:$0x3FDB];
	s0 =	simm.s32 @p2 $0x1  }
0x17: {  	s4 =	simm.s32 $0x1BF5;
	[smem:$0x3FBB] =	sst s0  }
0x18: {  	s0 =	sld [smem:$0x3F9E];
	_ =	swait.ge [sflag:s4], $0x0  }
0x19: {  	s7 =	sld [smem:$0x3F9F]  }
0x1a: {  	s8 =	sadd.s32 $0xFFFFE003, lr  }
0x1b: {  	s9 =	sadd.s32 $0xFFFFFEF7, lr;
	s5 =	simm.s32 $0xFFFFFFFF;
	p2 =	slt.u32 s8, $0xFFFFF086  }
0x1c: {  	p1 =	slt.u32 s9, $0xF7A;
	s5 =	simm.s32 @!p2 $0x0  }
0x1d: {  	s5 =	simm.s32 @p1 $0x1;
	p0 =	seq.s32 s7, s2  }
0x1e: {  	s7 =	smul.u32 @!p0 $0xF7A, s2;
	p2 =	seq.s32 @!p0 s5, $0x0  }
0x1f: {  	s9 =	smul.u32 $0xF7A, s1;
	s8 =	simm.s32 @!p0 $0x1BF5;
	p2 =	por !p2, p0  }
0x20: {  	[sflag:s8] =	ssyncset.s32 @!p0 $0xFFFFF086;
	s6 =	sadd.s32 @!p0 s3, s7;
	s7 =	simm.s32 @!p0 $0x108  }
0x21: {  	s3 =	sadd.s32 s3, s9;
	s6 =	sadd.s32 @!p0 $0x88, s6;
	s7 =	simm.s32 @p2 $0x1082  }
0x22: {  	[simem:s7], [sflag:s8] =	dma.local @!p0 [hbm:s6], $0xF7A  }
0x23: {  	s9 =	sor.u32 $0xD0000000, s2;
	s6 =	simm.s32 $0x108;
	_ =	swait.ge @!p0 [sflag:s8], $0x0  }
0x24: {  	s3 =	sadd.s32 $0x88, s3;
	s6 =	simm.s32 @!p1 $0x1082;
	[sflag:s4] =	ssyncset.s32 $0xFFFFF086  }
0x25: {  	[simem:s6], [sflag:s4] =	dma.local [hbm:s3], $0xF7A  }
0x26: {  	[smem:$0x3F9F] =	sst s1;
	(tag) =	ssettag s2;
	_ =	strace s9  }
0x27: {  	s1 =	sld [smem:$0x3FAF]  }
0x28: {  	s2 =	sld [smem:$0x3FB0]  }
0x29: {  	s4 =	sld [smem:$0x3FB2]  }
0x2a: {  	p0 =	seq.s32 s5, $0x0;
	s5 =	sld [smem:$0x3FB3]  }
0x2b: {  	s6 =	sld [smem:$0x3FB4]  }
0x2c: {  	s7 =	sld [smem:$0x3FB5]  }
0x2d: {  	s3 =	simm.s32 $0x108;
	s8 =	sld [smem:$0x3FB6]  }
0x2e: {  	s3 =	simm.s32 @!p0 $0x1082;
	s9 =	sld [smem:$0x3FB7]  }
0x2f: {  	lr =	sadd.s32 s0, s3;
	s0 =	sld [smem:$0x3FAE]  }
0x30: {  	s3 =	sld [smem:$0x3FB1]  }
0x31: {  	[smem:$0x3FBA] =	sst s10  }
0x32: {  	s10 =	sld [smem:$0x3FB8];
	_ =	sdelay $0x3  }
0x33: {  	p0 =	seq.s32 s10, $0x1;
	s10 =	sld [smem:$0x3FBA];
	_ =	sdelay $0x3  }
0x34: {  	[smem:$0x3FBA] =	sst s10  }
0x35: {  	s10 =	sld [smem:$0x3FB9];
	_ =	sdelay $0x3  }
0x36: {  	p1 =	seq.s32 s10, $0x1;
	s10 =	sld [smem:$0x3FBA];
	_ =	sdelay $0x3  }
0x37: {  	[smem:$0x3FBA] =	sst s10  }
0x38: {  	s10 =	sld [smem:$0x3FBB]  }
0x39: {  	_ = 	snop;
	(pc) =	sbr.ind lr, $3  }
0x3a: {  	_ = 	snop  }
0x3b: {  	_ = 	snop  }
0x3c: {  	p2 =	seq.s32 s10, $0x1;
	s10 =	sld [smem:$0x3FBA]  }
0x3d: {  	_ =	shalt  }
0x3e: {  	_ =	shalt  }
0x3f: {  	_ =	shalt  }
0x40: {  	_ =	shalt  }
0x41: {  	_ =	shalt  }
0x42: {  	_ =	shalt  }
0x43: {  	_ =	shalt  }
0x44: {  	_ =	shalt  }
0x45: {  	_ =	shalt  }
0x46: {  	_ =	shalt  }
0x47: {  	_ =	shalt  }
0x48: {  	_ =	shalt  }
0x49: {  	_ =	shalt  }
0x4a: {  	_ =	shalt  }
0x4b: {  	_ =	shalt  }
0x4c: {  	_ =	shalt  }
0x4d: {  	_ =	shalt  }
0x4e: {  	_ =	shalt  }
0x4f: {  	_ =	shalt  }
0x50: {  	_ =	shalt  }
0x51: {  	_ =	shalt  }
0x52: {  	_ =	shalt  }
0x53: {  	_ =	shalt  }
0x54: {  	_ =	shalt  }
0x55: {  	_ =	shalt  }
0x56: {  	_ =	shalt  }
0x57: {  	_ =	shalt  }
0x58: {  	_ =	shalt  }
0x59: {  	_ =	shalt  }
0x5a: {  	_ =	shalt  }
0x5b: {  	_ =	shalt  }
0x5c: {  	_ =	shalt  }
0x5d: {  	_ =	shalt  }
0x5e: {  	_ =	shalt  }
0x5f: {  	_ =	shalt  }
0x60: {  	_ =	shalt  }
0x61: {  	_ =	shalt  }
0x62: {  	_ =	shalt  }
0x63: {  	_ =	shalt  }
0x64: {  	_ =	shalt  }
0x65: {  	_ =	shalt  }
0x66: {  	_ =	shalt  }
0x67: {  	_ =	shalt  }
0x68: {  	_ =	shalt  }
0x69: {  	_ =	shalt  }
0x6a: {  	_ =	shalt  }
0x6b: {  	_ =	shalt  }
0x6c: {  	_ =	shalt  }
0x6d: {  	_ =	shalt  }
0x6e: {  	_ =	shalt  }
0x6f: {  	_ =	shalt  }
0x70: {  	_ =	shalt  }
0x71: {  	_ =	shalt  }
0x72: {  	_ =	shalt  }
0x73: {  	_ =	shalt  }
0x74: {  	_ =	shalt  }
0x75: {  	_ =	shalt  }
0x76: {  	_ =	shalt  }
0x77: {  	_ =	shalt  }
0x78: {  	_ =	shalt  }
0x79: {  	_ =	shalt  }
0x7a: {  	_ =	shalt  }
0x7b: {  	_ =	shalt  }
0x7c: {  	_ =	shalt  }
0x7d: {  	_ =	shalt  }
0x7e: {  	_ =	shalt  }
0x7f: {  	_ =	shalt  }
0x80: {  	_ =	shalt  }
0x81: {  	_ =	shalt  }
0x82: {  	_ =	shalt  }
0x83: {  	_ =	shalt  }
0x84: {  	_ =	shalt  }
0x85: {  	_ =	shalt  }
0x86: {  	_ =	shalt  }
0x87: {  	_ =	shalt  }
.Lfunc_end0:
.L_simem_size_0:
called_computation_lowered:
.L_overlay_start_0:
0x88: {  	s2 =	sld [smem:$0x3FD9]  }
0x89: {  	s3 =	sld [smem:$0x3FFE];
	_ =	sdelay $0x1  }
0x8a: {  	s1 =	srdreg.scid  }
0x8b: {  	s0 =	sand.u32 $0x1, s1  }
0x8c: {  	s17 =	sshll.u32 s0, $0xA;
	s2 =	sadd.s32 s3, s2  }
0x8d: {  	s2 =	sadd.s32 s2, s17  }
0x8e: {  	[smem:$0x3FC6] =	sst s2  }
0x8f: {  	_ = 	snop  }
0x90: {  	s2 =	sld [smem:$0x3FC8]  }
0x91: {  	s18 =	sld [smem:$0x3FD0];
	(tm) =	ssettm $0x1  }
0x92: {  	s4 =	sld [smem:$0x3FFB];
	_ =	sdelay $0x3  }
0x93: {  	_ =	strace s4  }
0x94: {  	s4 =	sld [smem:$0x3FFC];
	_ =	sdelay $0x3  }
0x95: {  	_ =	strace s4  }
0x96: {  	s4 =	sld [smem:$0x3FFD];
	_ =	sdelay $0x3  }
0x97: {  	_ =	strace s4  }
0x98: {  	_ =	strace $0x8FFFFFFF  }
0x99: {  	s19 =	sld [smem:$0x3FDB];
	_ =	sdelay $0x1  }
0x9a: {  	s5 =	simm.s32 $_scs_section_size  }
0x9b: {  	s6 =	simm.s32 $_size__tile_overlayer_lowered;
	s7 =	simm.s32 $_tile_overlayer_lowered  }
0x9c: {  	s22 =	simm.s32 $0x1BFF;
	s21 =	sshll.u32 s7, $0x1;
	s4 =	sadd.s32 s5, s19  }
0x9d: {  	s8 =	simm.s32 $0x0;
	s20 =	sshll.u32 s6, $0x1;
	s6 =	sadd.s32 s21, s4  }
0x9e: {  	[timem:s8], [sflag:s22] =	dma.local [hbm:s6], s20  }
0x9f: {  	_ =	swait.ge [sflag:s22], s20  }
0xa0: {  	s5 =	ssub.s32 $0x0, s20;
	[sflag:s22] =	ssyncset.done $0x0  }
0xa1: {  	[sflag:s22] =	ssyncadd.s32 s5;
	_ =	sdelay $0x1  }
0xa2: {  	s23 =	simm.s32 $0x1B8B  }
0xa3: {  	_ =	swait.ge [sflag:s23], $0x1  }
0xa4: {  	[sflag:s23] =	ssyncset.done $0x0  }
0xa5: {  	s25 =	simm.s32 $0x1B8E;
	s24 =	sld [smem:$0x3FFE];
	[sflag:s23] =	ssyncadd.s32 $0xFFFFFFFF  }
0xa6: {  	s26 =	simm.s32 $execute0_lowered;
	[smem:$0x3FD2] =	sst s25  }
0xa7: {  	s6 =	sshll.u32 s26, $0x1;
	_ =	strace $0x80000046;
	[dreg:$0x1] =	wrdreg $0xFFFFFFFF  }
0xa8: {  	s28 =	simm.s32 $_size_execute0_lowered;
	s4 =	sadd.s32 s4, s6;
	[dreg:$0x0] =	wrdreg $0x0  }
0xa9: {  	s6 =	sshll.u32 s28, $0x1;
	[dreg:$0x2] =	wrdreg s4  }
0xaa: {  	[dreg:$0x3] =	wrdreg s6  }
0xab: {  	[dreg:$0x4] =	wrdreg $0xC0  }
0xac: {  	_ =	task [dreg:s8], $0x5FFFF  }
0xad: {  	[dreg:$0x1] =	wrdreg $0xFFFFFFFF  }
0xae: {  	[dreg:$0x0] =	wrdreg $0x60  }
0xaf: {  	[dreg:$0x2] =	wrdreg s24  }
0xb0: {  	[dreg:$0x3] =	wrdreg s2  }
0xb1: {  	[dreg:$0x4] =	wrdreg s18  }
0xb2: {  	[dreg:$0x5] =	wrdreg $0x142800  }
0xb3: {  	[dreg:$0x6] =	wrdreg $0x161C00  }
0xb4: {  	[dreg:$0x7] =	wrdreg $0x9  }
0xb5: {  	_ =	task.clear_ibuf [dreg:s8], $0x8FFFF;
	_ =	strace $0x90000046  }
0xb6: {  	s29 =	simm.s32 $0x9;
	_ =	strace $0x80000048  }
0xb7: {  	_ =	swait.ge [sflag:s29], $0x1  }
0xb8: {  	[sflag:s29] =	ssyncadd.s32 $0xFFFFFFFF  }
0xb9: {  	_ =	strace $0x90000048  }
0xba: {  	_ =	sfence  }
0xbb: {  	s30 =	sld [smem:$0x0];
	_ =	sdelay $0x2  }
0xbc: {  	s31 =	sshll.u32 s1, $0xD;
	s1 =	sshrl.u32 s1, $0x2  }
0xbd: {  	s3 =	sand.u32 $0x4000, s31;
	s1 =	sadd.s32 s1, s30  }
0xbe: {  	s0 =	sor.u32 s3, s0;
	s1 =	sshll.u32 s1, $0x11  }
0xbf: {  	s0 =	sor.u32 s1, s0  }
0xc0: {  	s0 =	sadd.s32 $0x8F2B, s0  }
0xc1: {  	[sflag:s0] =	ssyncadd.remote.s32 $0x1  }
0xc2: {  	_ =	sfence.sel $0xFFFF  }
0xc3: {  	[dreg:$0x0] =	wrdreg $0xFFFFFFFF;
	(pc) =	sbr.abs _section_cstart, $3  }
0xc4: {  	[dreg:$0x1] =	wrdreg $0xFFFFFFFF  }
0xc5: {  	_ =	task.clear_ibuf [dreg:s8], $0x2FFFF;
	_ =	strace $0x9FFFFFFF  }
0xc6: {  	(tm) =	ssettm $0x7FFFFFFF  }
0xc7: {  	_ =	shalt  }
tec
execute0_lowered:
.L_overlay_start_1:
0x0: {  	(tag) =	ssettag $0x1  }
0x1: {  	s0 =	rddreg [dreg:$0x0]  }
0x2: {  	s5 =	rddreg [dreg:$0x2]  }
0x3: {  	s1 =	srdreg.scid;
	s2 =	rddreg [dreg:$0x3]  }
0x4: {  	s6 =	stileid.u32;
	s4 =	rddreg [dreg:$0x4];
	s28 =	simm.s32 $0xC280  }
0x5: {  	s29 =	simm.s32 $0x200;
	s30 =	simm.s32 $0x10280;
	s31 =	simm.s32 $0x1  }
0x6: {  	s12 =	simm.s32 $0xA;
	s1 =	sand.u32 $0x1, s1;
	s10 =	smul.u32 $0x19000, s6  }
0x7: {  	s21 =	smul.u32 $0x64000, s6;
	p0 =	sne.s32 s6, $0x0;
	s26 =	sshll.u32 s6, $0x6  }
0x8: {  	s3 =	sshll.u32 s1, $0x4;
	s9 =	ssub.s32 $0x2, s1;
	s18 =	smul.u32 $0x640000, s1  }
0x9: {  	s1 =	sshrl.u32 @!p0 s2, $0x3;
	s7 =	sor.u32 s6, s3;
	s3 =	simm.s32 $0x0  }
0xa: {  	s11 =	sshrl.u32 s9, $0x1;
	s14 =	sshrl.u32 s10, $0x2;
	s6 =	simm.s32 $0x6  }
0xb: {  	s10 =	simm.s32 $0x8;
	s8 =	smul.u32 $0xC80, s7;
	[smem:$0x7FF] =	sst s3  }
0xc: {  	s13 =	ssub.s32 s9, s11;
	s4 =	sadd.s32 s14, s4;
	s15 =	smul.u32 $0x64000, s7  }
0xd: {  	s7 =	smul.u32 $0x320000, s7;
	s11 =	simm.s32 $0x9;
	_ =	strace $0x80000047  }
0xe: {  	s9 =	sadd.s32 $0x80, s4;
	s16 =	sadd.s32 $0x100, s4;
	[dreg:$0x11] =	wrdreg s1  }
0xf: {  	s17 =	sadd.s32 $0x180, s4;
	s19 =	sadd.s32 $0x200, s4;
	[dreg:$0x8] =	wrdreg s9  }
0x10: {  	s25 =	smax.u32 s13, $0x1;
	s1 =	simm.s32 $0x2;
	[dreg:$0x9] =	wrdreg s16  }
0x11: {  	s13 =	simm.s32 $0x0;
	s0 =	sadd.s32 s8, s0;
	[dreg:$0xa] =	wrdreg s17  }
0x12: {  	s9 =	sadd.s32 s5, s15;
	[dreg:$0xb] =	wrdreg s19;
	s7 =	sshrl.u32 s7, $0x3  }
0x13: {  	[dreg:$0x10] =	wrdreg s25;
	s16 =	sadd.s32 $0x480, s4;
	s0 =	sadd.s32 $0x400, s0  }
0x14: {  	s19 =	sshrl.u32 s4, $0x3;
	s20 =	sadd.s32 $0x800, s9;
	[dreg:$0x7] =	wrdreg s0  }
0x15: {  	s25 =	simm.s32 $0x8280;
	s22 =	sadd.s32 $0x1000, s9;
	[dreg:$0xc] =	wrdreg s20  }
0x16: {  	s8 =	simm.s32 $0x7;
	s23 =	sadd.s32 $0x1800, s9;
	[dreg:$0xd] =	wrdreg s22  }
0x17: {  	s0 =	sadd.s32 s18, s5;
	[dreg:$0xe] =	wrdreg s23;
	s5 =	sadd.s32 s5, s7  }
0x18: {  	s20 =	simm.s32 $0xB;
	s22 =	simm.s32 $0x280;
	s23 =	simm.s32 $0x4280  }
0x19: {  	s7 =	simm.s32 $0x5;
	s0 =	sadd.s32 s21, s0;
	s24 =	sadd.s32 $0x63800, s5  }
0x1a: {  	s21 =	simm.s32 $0x80;
	s5 =	simm.s32 $0x4;
	[dreg:$0xf] =	wrdreg s24  }
0x1b: {  	[dreg:$0x6] =	wrdreg s0;
	s0 =	sor.u32 $0x1C0B, s26;
	s24 =	simm.s32 $0x100  }
0x1c: {  	s26 =	simm.s32 $0x180;
	[dreg:$0x12] =	wrdreg s0;
	s0 =	simm.s32 $0x3  }
.LBB2_1:
0x1d: {  	s15 =	rddreg [dreg:$0x1]  }
0x1e: {  	s14 =	simm.s32 @!p0 $0x1C0B;
	s17 =	rddreg [dreg:$0x11]  }
0x1f: {  	[spmem:s17], [sflag:s14] =	dma.local @!p0 [hbm:s15], $0x3E80  }
0x20: {  	s14 =	simm.s32 @!p0 $0xB  }
0x21: {  	_ =	swait.ge @!p0 [sflag:s14], $0x3E80  }
0x22: {  	[sflag:s14] =	ssyncset.done @!p0 $0x0;
	s17 =	rddreg [dreg:$0x7]  }
0x23: {  	s18 =	rddreg [dreg:$0x12];
	[sflag:s14] =	ssyncadd.s32 @!p0 $0xFFFFC180  }
0x24: {  	[spmem:s19], [sflag:s18] =	dma.local [hbm:s17], $0xC80  }
0x25: {  	_ =	swait.ge [sflag:s20], $0xC80  }
0x26: {  	[sflag:s20] =	ssyncset.done $0x0  }
0x27: {  	[sflag:s20] =	ssyncadd.s32 $0xFFFFF380  }
0x28: {  	[bflag:$0x0] =	sbarrier.arrive $0xFFFF  }
0x29: {  	[tilespmem:s3], [sflag:$0xB] =	stream.linear.gather [spmem:s4], $0x80, $0x38;
	[tilespmem:$0x1C5C0] =	vst v63  }
0x2a: {  	_ =	swait.ge [sflag:s20], $0x80  }
0x2b: {  	[sflag:s20] =	ssyncset.done $0x0  }
0x2c: {  	[sflag:s20] =	ssyncadd.s32 $0xFFFFFF80  }
0x2d: {  	[tilespmem:s22], [sflag:$0x1] =	stream.indirect.gather [spmem:s2], $0x80, s3, s21, $0xb8;
	[tilespmem:$0x1C5C0] =	vst v63  }
0x2e: {  	s17 =	rddreg [dreg:$0x8]  }
0x2f: {  	[tilespmem:s21], [sflag:$0xB] =	stream.linear.gather [spmem:s17], $0x80, $0x38;
	[tilespmem:$0x1C5C0] =	vst v63  }
0x30: {  	_ =	swait.ge [sflag:s20], $0x80  }
0x31: {  	[sflag:s20] =	ssyncset.done $0x0  }
0x32: {  	[sflag:s20] =	ssyncadd.s32 $0xFFFFFF80  }
0x33: {  	[tilespmem:s23], [sflag:$0x2] =	stream.indirect.gather [spmem:s2], $0x80, s21, s21, $0xb8;
	[tilespmem:$0x1C5C0] =	vst v63  }
0x34: {  	s18 =	rddreg [dreg:$0x9]  }
0x35: {  	[tilespmem:s24], [sflag:$0xB] =	stream.linear.gather [spmem:s18], $0x80, $0x38;
	[tilespmem:$0x1C5C0] =	vst v63  }
0x36: {  	_ =	swait.ge [sflag:s20], $0x80  }
0x37: {  	[sflag:s20] =	ssyncset.done $0x0  }
0x38: {  	[sflag:s20] =	ssyncadd.s32 $0xFFFFFF80  }
0x39: {  	[tilespmem:s25], [sflag:$0x3] =	stream.indirect.gather [spmem:s2], $0x80, s24, s21, $0xb8;
	[tilespmem:$0x1C5C0] =	vst v63  }
0x3a: {  	s15 =	rddreg [dreg:$0xa]  }
0x3b: {  	[tilespmem:s26], [sflag:$0xB] =	stream.linear.gather [spmem:s15], $0x80, $0x38;
	[tilespmem:$0x1C5C0] =	vst v63  }
0x3c: {  	_ =	swait.ge [sflag:s20], $0x80  }
0x3d: {  	[sflag:s20] =	ssyncset.done $0x0  }
0x3e: {  	[sflag:s20] =	ssyncadd.s32 $0xFFFFFF80  }
0x3f: {  	[tilespmem:s28], [sflag:$0x4] =	stream.indirect.gather [spmem:s2], $0x80, s26, s21, $0xb8;
	[tilespmem:$0x1C5C0] =	vst v63  }
0x40: {  	s17 =	rddreg [dreg:$0xb]  }
0x41: {  	[tilespmem:s29], [sflag:$0xB] =	stream.linear.gather [spmem:s17], $0x80, $0x38;
	[tilespmem:$0x1C5C0] =	vst v63  }
0x42: {  	_ =	swait.ge [sflag:s20], $0x80  }
0x43: {  	[sflag:s20] =	ssyncset.done $0x0  }
0x44: {  	[sflag:s20] =	ssyncadd.s32 $0xFFFFFF80  }
0x45: {  	[tilespmem:s30], [sflag:$0x5] =	stream.indirect.gather [spmem:s2], $0x80, s29, s21, $0xb8;
	[tilespmem:$0x1C5C0] =	vst v63  }
0x46: {  	_ =	swait.ge [sflag:s31], $0x4000  }
0x47: {  	[sflag:s31] =	ssyncset.done $0x0  }
0x48: {  	[sflag:s31] =	ssyncadd.s32 $0xFFFFC000  }
0x49: {  	[hbm4b:s9+s3] =	stream.linear.scatter [tilespmem:s22], [sflag:$0x6], $0x4000, $0x38;
	[tilespmem:$0x1C5C0] =	vst v63  }
0x4a: {  	_ =	swait.ge [sflag:s1], $0x4000  }
0x4b: {  	[sflag:s1] =	ssyncset.done $0x0  }
0x4c: {  	s18 =	rddreg [dreg:$0xc];
	[sflag:s1] =	ssyncadd.s32 $0xFFFFC000  }
0x4d: {  	[hbm4b:s18+s3] =	stream.linear.scatter [tilespmem:s23], [sflag:$0x7], $0x4000, $0x38;
	[tilespmem:$0x1C5C0] =	vst v63  }
0x4e: {  	_ =	swait.ge [sflag:s0], $0x4000  }
0x4f: {  	[sflag:s0] =	ssyncset.done $0x0  }
0x50: {  	s15 =	rddreg [dreg:$0xd];
	[sflag:s0] =	ssyncadd.s32 $0xFFFFC000  }
0x51: {  	[hbm4b:s15+s3] =	stream.linear.scatter [tilespmem:s25], [sflag:$0x8], $0x4000, $0x38;
	[tilespmem:$0x1C5C0] =	vst v63  }
0x52: {  	_ =	swait.ge [sflag:s5], $0x4000  }
0x53: {  	[sflag:s5] =	ssyncset.done $0x0  }
0x54: {  	s17 =	rddreg [dreg:$0xe];
	[sflag:s5] =	ssyncadd.s32 $0xFFFFC000  }
0x55: {  	[hbm4b:s17+s3] =	stream.linear.scatter [tilespmem:s28], [sflag:$0x9], $0x4000, $0x38;
	[tilespmem:$0x1C5C0] =	vst v63  }
0x56: {  	_ =	swait.ge [sflag:s6], $0x4000  }
0x57: {  	[sflag:s6] =	ssyncset.done $0x0  }
0x58: {  	s18 =	sadd.s32 $0xFFFFFE00, s16;
	[sflag:s6] =	ssyncadd.s32 $0xFFFFC000  }
0x59: {  	[tilespmem:s3], [sflag:$0xB] =	stream.linear.gather [spmem:s18], $0x80, $0x38;
	[tilespmem:$0x1C5C0] =	vst v63  }
0x5a: {  	_ =	swait.ge [sflag:s20], $0x80  }
0x5b: {  	[sflag:s20] =	ssyncset.done $0x0  }
0x5c: {  	[sflag:s20] =	ssyncadd.s32 $0xFFFFFF80  }
0x5d: {  	[tilespmem:s22], [sflag:$0x1] =	stream.indirect.gather [spmem:s2], $0x80, s3, s21, $0xb8;
	[tilespmem:$0x1C5C0] =	vst v63  }
0x5e: {  	_ =	swait.ge [sflag:s7], $0x4000  }
0x5f: {  	s15 =	rddreg [dreg:$0x6]  }
0x60: {  	[sflag:s7] =	ssyncset.done $0x0;
	s15 =	sadd.s32 $0x0, s15  }
0x61: {  	[sflag:s7] =	ssyncadd.s32 $0xFFFFC000;
	s14 =	sadd.s32 $0x2000, s15  }
0x62: {  	[hbm4b:s14+s3] =	stream.linear.scatter [tilespmem:s30], [sflag:$0xA], $0x4000, $0x38;
	[tilespmem:$0x1C5C0] =	vst v63  }
0x63: {  	_ =	swait.ge [sflag:s8], $0x4000  }
0x64: {  	[sflag:s8] =	ssyncset.done $0x0  }
0x65: {  	s17 =	sadd.s32 $0xFFFFFE80, s16;
	[sflag:s8] =	ssyncadd.s32 $0xFFFFC000  }
0x66: {  	[tilespmem:s21], [sflag:$0xB] =	stream.linear.gather [spmem:s17], $0x80, $0x38;
	[tilespmem:$0x1C5C0] =	vst v63  }
0x67: {  	_ =	swait.ge [sflag:s20], $0x80  }
0x68: {  	[sflag:s20] =	ssyncset.done $0x0  }
0x69: {  	[sflag:s20] =	ssyncadd.s32 $0xFFFFFF80  }
0x6a: {  	[tilespmem:s23], [sflag:$0x2] =	stream.indirect.gather [spmem:s2], $0x80, s21, s21, $0xb8;
	[tilespmem:$0x1C5C0] =	vst v63  }
0x6b: {  	_ =	swait.ge [sflag:s31], $0x4000  }
0x6c: {  	[sflag:s31] =	ssyncset.done $0x0  }
0x6d: {  	s18 =	sadd.s32 $0x2800, s15;
	[sflag:s31] =	ssyncadd.s32 $0xFFFFC000  }
0x6e: {  	[hbm4b:s18+s3] =	stream.linear.scatter [tilespmem:s22], [sflag:$0x6], $0x4000, $0x38;
	[tilespmem:$0x1C5C0] =	vst v63  }
0x6f: {  	_ =	swait.ge [sflag:s10], $0x4000  }
0x70: {  	[sflag:s10] =	ssyncset.done $0x0  }
0x71: {  	s17 =	sadd.s32 $0xFFFFFF00, s16;
	[sflag:s10] =	ssyncadd.s32 $0xFFFFC000  }
0x72: {  	[tilespmem:s24], [sflag:$0xB] =	stream.linear.gather [spmem:s17], $0x80, $0x38;
	[tilespmem:$0x1C5C0] =	vst v63  }
0x73: {  	_ =	swait.ge [sflag:s20], $0x80  }
0x74: {  	[sflag:s20] =	ssyncset.done $0x0  }
0x75: {  	[sflag:s20] =	ssyncadd.s32 $0xFFFFFF80  }
0x76: {  	[tilespmem:s25], [sflag:$0x3] =	stream.indirect.gather [spmem:s2], $0x80, s24, s21, $0xb8;
	[tilespmem:$0x1C5C0] =	vst v63  }
0x77: {  	_ =	swait.ge [sflag:s1], $0x4000  }
0x78: {  	[sflag:s1] =	ssyncset.done $0x0  }
0x79: {  	s18 =	sadd.s32 $0x3000, s15;
	[sflag:s1] =	ssyncadd.s32 $0xFFFFC000  }
0x7a: {  	[hbm4b:s18+s3] =	stream.linear.scatter [tilespmem:s23], [sflag:$0x7], $0x4000, $0x38;
	[tilespmem:$0x1C5C0] =	vst v63  }
0x7b: {  	_ =	swait.ge [sflag:s11], $0x4000  }
0x7c: {  	[sflag:s11] =	ssyncset.done $0x0  }
0x7d: {  	s17 =	sadd.s32 $0xFFFFFF80, s16;
	[sflag:s11] =	ssyncadd.s32 $0xFFFFC000  }
0x7e: {  	[tilespmem:s26], [sflag:$0xB] =	stream.linear.gather [spmem:s17], $0x80, $0x38;
	[tilespmem:$0x1C5C0] =	vst v63  }
0x7f: {  	_ =	swait.ge [sflag:s20], $0x80  }
0x80: {  	[sflag:s20] =	ssyncset.done $0x0  }
0x81: {  	[sflag:s20] =	ssyncadd.s32 $0xFFFFFF80  }
0x82: {  	[tilespmem:s28], [sflag:$0x4] =	stream.indirect.gather [spmem:s2], $0x80, s26, s21, $0xb8;
	[tilespmem:$0x1C5C0] =	vst v63  }
0x83: {  	_ =	swait.ge [sflag:s0], $0x4000  }
0x84: {  	[sflag:s0] =	ssyncset.done $0x0  }
0x85: {  	s18 =	sadd.s32 $0x3800, s15;
	[sflag:s0] =	ssyncadd.s32 $0xFFFFC000  }
0x86: {  	[hbm4b:s18+s3] =	stream.linear.scatter [tilespmem:s25], [sflag:$0x8], $0x4000, $0x38;
	[tilespmem:$0x1C5C0] =	vst v63  }
0x87: {  	_ =	swait.ge [sflag:s12], $0x4000  }
0x88: {  	[sflag:s12] =	ssyncset.done $0x0  }
0x89: {  	[sflag:s12] =	ssyncadd.s32 $0xFFFFC000  }
0x8a: {  	[tilespmem:s29], [sflag:$0xB] =	stream.linear.gather [spmem:s16], $0x80, $0x38;
	[tilespmem:$0x1C5C0] =	vst v63  }
0x8b: {  	_ =	swait.ge [sflag:s20], $0x80  }
0x8c: {  	[sflag:s20] =	ssyncset.done $0x0  }
0x8d: {  	[sflag:s20] =	ssyncadd.s32 $0xFFFFFF80  }
0x8e: {  	[tilespmem:s30], [sflag:$0x5] =	stream.indirect.gather [spmem:s2], $0x80, s29, s21, $0xb8;
	[tilespmem:$0x1C5C0] =	vst v63  }
0x8f: {  	_ =	swait.ge [sflag:s5], $0x4000  }
0x90: {  	s14 =	simm.s32 $0x2800;
	[sflag:s5] =	ssyncset.done $0x0  }
0x91: {  	s17 =	sadd.s32 $0x4000, s15;
	s15 =	sadd.s32 $0x280, s16;
	[sflag:s5] =	ssyncadd.s32 $0xFFFFC000  }
.LBB2_2:
0x92: {  	[hbm4b:s17+s3] =	stream.linear.scatter [tilespmem:s28], [sflag:$0x9], $0x4000, $0x38;
	[tilespmem:$0x1C5C0] =	vst v63  }
0x93: {  	_ =	swait.ge [sflag:s6], $0x4000  }
0x94: {  	[sflag:s6] =	ssyncset.done $0x0  }
0x95: {  	s18 =	sadd.s32 $0xFFFFFE00, s15;
	[sflag:s6] =	ssyncadd.s32 $0xFFFFC000  }
0x96: {  	[tilespmem:s3], [sflag:$0xB] =	stream.linear.gather [spmem:s18], $0x80, $0x38;
	[tilespmem:$0x1C5C0] =	vst v63  }
0x97: {  	_ =	swait.ge [sflag:s20], $0x80  }
0x98: {  	[sflag:s20] =	ssyncset.done $0x0  }
0x99: {  	[sflag:s20] =	ssyncadd.s32 $0xFFFFFF80  }
0x9a: {  	[tilespmem:s22], [sflag:$0x1] =	stream.indirect.gather [spmem:s2], $0x80, s3, s21, $0xb8;
	[tilespmem:$0x1C5C0] =	vst v63  }
0x9b: {  	_ =	swait.ge [sflag:s7], $0x4000  }
0x9c: {  	s17 =	smov.u32 s14;
	s18 =	rddreg [dreg:$0x6]  }
0x9d: {  	[sflag:s7] =	ssyncset.done $0x0;
	s17 =	sadd.s32 s17, s18  }
0x9e: {  	[sflag:s7] =	ssyncadd.s32 $0xFFFFC000;
	s18 =	sadd.s32 $0x2000, s17  }
0x9f: {  	[hbm4b:s18+s3] =	stream.linear.scatter [tilespmem:s30], [sflag:$0xA], $0x4000, $0x38;
	[tilespmem:$0x1C5C0] =	vst v63  }
0xa0: {  	_ =	swait.ge [sflag:s8], $0x4000  }
0xa1: {  	[sflag:s8] =	ssyncset.done $0x0  }
0xa2: {  	s18 =	sadd.s32 $0xFFFFFE80, s15;
	[sflag:s8] =	ssyncadd.s32 $0xFFFFC000  }
0xa3: {  	[tilespmem:s21], [sflag:$0xB] =	stream.linear.gather [spmem:s18], $0x80, $0x38;
	[tilespmem:$0x1C5C0] =	vst v63  }
0xa4: {  	_ =	swait.ge [sflag:s20], $0x80  }
0xa5: {  	[sflag:s20] =	ssyncset.done $0x0  }
0xa6: {  	[sflag:s20] =	ssyncadd.s32 $0xFFFFFF80  }
0xa7: {  	[tilespmem:s23], [sflag:$0x2] =	stream.indirect.gather [spmem:s2], $0x80, s21, s21, $0xb8;
	[tilespmem:$0x1C5C0] =	vst v63  }
0xa8: {  	_ =	swait.ge [sflag:s31], $0x4000  }
0xa9: {  	[sflag:s31] =	ssyncset.done $0x0  }
0xaa: {  	s18 =	sadd.s32 $0x2800, s17;
	[sflag:s31] =	ssyncadd.s32 $0xFFFFC000  }
0xab: {  	[hbm4b:s18+s3] =	stream.linear.scatter [tilespmem:s22], [sflag:$0x6], $0x4000, $0x38;
	[tilespmem:$0x1C5C0] =	vst v63  }
0xac: {  	_ =	swait.ge [sflag:s10], $0x4000  }
0xad: {  	[sflag:s10] =	ssyncset.done $0x0  }
0xae: {  	s18 =	sadd.s32 $0xFFFFFF00, s15;
	[sflag:s10] =	ssyncadd.s32 $0xFFFFC000  }
0xaf: {  	[tilespmem:s24], [sflag:$0xB] =	stream.linear.gather [spmem:s18], $0x80, $0x38;
	[tilespmem:$0x1C5C0] =	vst v63  }
0xb0: {  	_ =	swait.ge [sflag:s20], $0x80  }
0xb1: {  	[sflag:s20] =	ssyncset.done $0x0  }
0xb2: {  	[sflag:s20] =	ssyncadd.s32 $0xFFFFFF80  }
0xb3: {  	[tilespmem:s25], [sflag:$0x3] =	stream.indirect.gather [spmem:s2], $0x80, s24, s21, $0xb8;
	[tilespmem:$0x1C5C0] =	vst v63  }
0xb4: {  	_ =	swait.ge [sflag:s1], $0x4000  }
0xb5: {  	[sflag:s1] =	ssyncset.done $0x0  }
0xb6: {  	s18 =	sadd.s32 $0x3000, s17;
	[sflag:s1] =	ssyncadd.s32 $0xFFFFC000  }
0xb7: {  	[hbm4b:s18+s3] =	stream.linear.scatter [tilespmem:s23], [sflag:$0x7], $0x4000, $0x38;
	[tilespmem:$0x1C5C0] =	vst v63  }
0xb8: {  	_ =	swait.ge [sflag:s11], $0x4000  }
0xb9: {  	[sflag:s11] =	ssyncset.done $0x0  }
0xba: {  	s18 =	sadd.s32 $0xFFFFFF80, s15;
	[sflag:s11] =	ssyncadd.s32 $0xFFFFC000  }
0xbb: {  	[tilespmem:s26], [sflag:$0xB] =	stream.linear.gather [spmem:s18], $0x80, $0x38;
	[tilespmem:$0x1C5C0] =	vst v63  }
0xbc: {  	_ =	swait.ge [sflag:s20], $0x80  }
0xbd: {  	[sflag:s20] =	ssyncset.done $0x0  }
0xbe: {  	[sflag:s20] =	ssyncadd.s32 $0xFFFFFF80  }
0xbf: {  	[tilespmem:s28], [sflag:$0x4] =	stream.indirect.gather [spmem:s2], $0x80, s26, s21, $0xb8;
	[tilespmem:$0x1C5C0] =	vst v63  }
0xc0: {  	_ =	swait.ge [sflag:s0], $0x4000  }
0xc1: {  	[sflag:s0] =	ssyncset.done $0x0  }
0xc2: {  	s18 =	sadd.s32 $0x3800, s17;
	[sflag:s0] =	ssyncadd.s32 $0xFFFFC000  }
0xc3: {  	[hbm4b:s18+s3] =	stream.linear.scatter [tilespmem:s25], [sflag:$0x8], $0x4000, $0x38;
	[tilespmem:$0x1C5C0] =	vst v63  }
0xc4: {  	_ =	swait.ge [sflag:s12], $0x4000  }
0xc5: {  	[sflag:s12] =	ssyncset.done $0x0  }
0xc6: {  	[sflag:s12] =	ssyncadd.s32 $0xFFFFC000  }
0xc7: {  	[tilespmem:s29], [sflag:$0xB] =	stream.linear.gather [spmem:s15], $0x80, $0x38;
	[tilespmem:$0x1C5C0] =	vst v63  }
0xc8: {  	_ =	swait.ge [sflag:s20], $0x80  }
0xc9: {  	p1 =	sne.s32 s14, $0x5F000;
	[sflag:s20] =	ssyncset.done $0x0  }
.Ltmp0:
0xca: {  	[sflag:s20] =	ssyncadd.s32 $0xFFFFFF80;
	(pc) =	sbr.rel @p1 .LBB2_2-.Ltmp0, $4  }
0xcb: {  	[tilespmem:s30], [sflag:$0x5] =	stream.indirect.gather [spmem:s2], $0x80, s29, s21, $0xb8;
	[tilespmem:$0x1C5C0] =	vst v63  }
0xcc: {  	_ =	swait.ge [sflag:s5], $0x4000  }
0xcd: {  	s14 =	sadd.s32 $0x2800, s14;
	[sflag:s5] =	ssyncset.done $0x0  }
0xce: {  	s17 =	sadd.s32 $0x4000, s17;
	s15 =	sadd.s32 $0x280, s15;
	[sflag:s5] =	ssyncadd.s32 $0xFFFFC000  }
0xcf: {  	[hbm4b:s17+s3] =	stream.linear.scatter [tilespmem:s28], [sflag:$0x9], $0x4000, $0x38;
	[tilespmem:$0x1C5C0] =	vst v63  }
0xd0: {  	_ =	swait.ge [sflag:s7], $0x4000  }
0xd1: {  	[sflag:s7] =	ssyncset.done $0x0  }
0xd2: {  	s14 =	rddreg [dreg:$0xf];
	[sflag:s7] =	ssyncadd.s32 $0xFFFFC000  }
0xd3: {  	[hbm4b:s14+s3] =	stream.linear.scatter [tilespmem:s30], [sflag:$0xA], $0x4000, $0x38;
	[tilespmem:$0x1C5C0] =	vst v63  }
0xd4: {  	_ =	swait.ge [sflag:s12], $0x4000  }
0xd5: {  	[sflag:s12] =	ssyncset.done $0x0  }
0xd6: {  	[sflag:s12] =	ssyncadd.s32 $0xFFFFC000  }
0xd7: {  	_ =	swait.ge [sflag:s11], $0x4000  }
0xd8: {  	[sflag:s11] =	ssyncset.done $0x0  }
0xd9: {  	[sflag:s11] =	ssyncadd.s32 $0xFFFFC000  }
0xda: {  	_ =	swait.ge [sflag:s10], $0x4000  }
0xdb: {  	[sflag:s10] =	ssyncset.done $0x0  }
0xdc: {  	[sflag:s10] =	ssyncadd.s32 $0xFFFFC000  }
0xdd: {  	_ =	swait.ge [sflag:s8], $0x4000  }
0xde: {  	[sflag:s8] =	ssyncset.done $0x0  }
0xdf: {  	[sflag:s8] =	ssyncadd.s32 $0xFFFFC000  }
0xe0: {  	_ =	swait.ge [sflag:s6], $0x4000  }
0xe1: {  	s13 =	sadd.s32 $0x1, s13;
	s18 =	rddreg [dreg:$0x10]  }
0xe2: {  	p1 =	sne.s32 s13, s18  }
.Ltmp1:
0xe3: {  	_ = 	snop;
	(pc) =	sbr.rel @p1 .LBB2_1-.Ltmp1, $3  }
0xe4: {  	_ =	sdelay $0x1  }
0xe5: {  	[sflag:s6] =	ssyncset.done $0x0  }
0xe6: {  	[sflag:s6] =	ssyncadd.s32 $0xFFFFC000  }
0xe7: {  	_ =	sfence.sel $0x180000  }
0xe8: {  	[bflag:$0x0] =	sbarrier.arrive $0xFFFF  }
0xe9: {  	_ =	strace $0x90000047  }
0xea: {  	[bflag:$0x2] =	sbarrier.arrive $0xFFFF  }
0xeb: {  	s0 =	rddreg [dreg:$0x5]  }
0xec: {  	s0 =	sadd.s32 @!p0 $0x100000, s0  }
0xed: {  	[sflag:s0] =	ssyncadd.tile.s32 @!p0 $0x1;
	_ =	shalt  }
.Lfunc_end2:
_tile_overlayer_lowered:
.L_overlay_start_2:
0xee: {  	(tag) =	ssettag $0x2  }
0xef: {  	s0 =	rddreg [dreg:$0x0];
	s2 =	stileid.u32  }
0xf0: {  	s1 =	rddreg [dreg:$0x1];
	p0 =	sne.s32 s2, $0x0  }
0xf1: {  	s3 =	rddreg [dreg:$0x2];
	[bflag:$0x3] =	sbarrier.arrive $0xFFFF;
	s2 =	simm.s32 @!p0 $0x1C0B  }
0xf2: {  	[timem:s3], [sflag:s2] =	dma.local @!p0 [hbm:s0], s1  }
0xf3: {  	s0 =	simm.s32 @!p0 $0xB  }
0xf4: {  	_ =	swait.ge @!p0 [sflag:s0], s1  }
0xf5: {  	s1 =	ssub.s32 @!p0 $0x0, s1;
	[sflag:s0] =	ssyncset.done @!p0 $0x0  }
0xf6: {  	[sflag:s0] =	ssyncadd.s32 @!p0 s1  }
0xf7: {  	[bflag:$0x3] =	sbarrier.arrive $0xFFFF  }
0xf8: {  	_ =	shalt  }

</sc_bundles>
